<compile_context>
chip_gen: v7x
topology: tpu7x:2x2x1
jax: 0.10.2.dev20260603
libtpu: 0.0.44.dev20260713+nightly
codegen_flags: <defaults>
</compile_context>

<pallas_src>
import functools

import jax
import jax.numpy as jnp
from jax import lax
from jax.experimental import pallas as pl
from jax.experimental.pallas import tpu as pltpu
from jax.experimental.pallas import tpu_sc as plsc

_V = 100000
_OCR = 50
_L = 200
_H = 64
_NW = 32
_RPW = 64
_TOT = _NW * _RPW
_EPS = 1e-5
_LANE = 16


def _rsqrt16(a_scalar):
    av = jnp.full((_LANE,), a_scalar, dtype=jnp.float32)
    yi = lax.bitcast_convert_type(av, jnp.int32)
    yi = jnp.int32(0x5F3759DF) - lax.shift_right_logical(yi, 1)
    y = lax.bitcast_convert_type(yi, jnp.float32)
    for _ in range(4):
        y = y * (1.5 - 0.5 * av * y * y)
    return y


def _sc_body(idx3_hbm, params_hbm, cv_hbm, ocr_hbm, pos_hbm, enc_hbm,
             out_hbm,
             idx3_v, params_v, icv_v, ioc_v,
             cv_rows, oc_rows, pos_rows, out_rows, sel_v, enc_buf,
             semi, semp, sem0, sem1, sem2, seme):
    wid = lax.axis_index("s") * 2 + lax.axis_index("c")
    base = wid * _RPW
    bi = wid >> 2
    qi = wid & 3

    ci = pltpu.async_copy(idx3_hbm.at[:, pl.ds(base, _RPW)], idx3_v, semi)
    cp = pltpu.async_copy(params_hbm, params_v, semp)
    l0 = qi * 50
    c3 = pltpu.async_copy(pos_hbm.at[pl.ds(l0, 50)], pos_rows, sem2)
    ce = pltpu.async_copy(enc_hbm.at[pl.ds(wid * 25, 25)], enc_buf, seme)
    ci.wait()

    lane16 = lax.iota(jnp.int32, _LANE)
    for j in range(_RPW // _LANE):
        sl = pl.ds(j * _LANE, _LANE)
        v = idx3_v[0, sl]
        is_cv = v < _V
        icv_v[sl] = jnp.where(is_cv, v, j * _LANE + lane16)
        ioc_v[sl] = jnp.where(is_cv, j * _LANE + lane16,
                              idx3_v[1, sl] + (v - _V))
        sel_v[sl] = jnp.where(is_cv, jnp.float32(1.0), jnp.float32(0.0))

    c1 = pltpu.async_copy(cv_hbm.at[icv_v], cv_rows, sem0)
    c2 = pltpu.async_copy(ocr_hbm.at[ioc_v], oc_rows, sem1)
    c1.wait()
    c2.wait()
    c3.wait()
    cp.wait()

    def one_row(r):
        rb = jnp.full((_LANE,), r, dtype=jnp.int32)
        sel = plsc.load_gather(sel_v, [rb])
        inv = 1.0 - sel
        xs = []
        ps = []
        for h in range(_H // _LANE):
            hs = pl.ds(h * _LANE, _LANE)
            xs.append(cv_rows[r, hs] * sel + oc_rows[r, hs] * inv)
            ps.append(pos_rows[r, hs] + params_v[pl.ds(6 * _H + h * _LANE, _LANE)])
        sx = (xs[0] + xs[1]) + (xs[2] + xs[3])
        qx = (xs[0] * xs[0] + xs[1] * xs[1]) + (xs[2] * xs[2] + xs[3] * xs[3])
        sp = (ps[0] + ps[1]) + (ps[2] + ps[3])
        qp = (ps[0] * ps[0] + ps[1] * ps[1]) + (ps[2] * ps[2] + ps[3] * ps[3])
        mu = jnp.sum(sx) * (1.0 / _H)
        mup = jnp.sum(sp) * (1.0 / _H)
        var = jnp.sum(qx) * (1.0 / _H) - mu * mu
        varp = jnp.sum(qp) * (1.0 / _H) - mup * mup
        rstd = _rsqrt16(var + _EPS)
        rstdp = _rsqrt16(varp + _EPS)
        for h in range(_H // _LANE):
            hs = pl.ds(h * _LANE, _LANE)
            g = (params_v[pl.ds(0 * _H + h * _LANE, _LANE)] * sel
                 + params_v[pl.ds(2 * _H + h * _LANE, _LANE)] * inv) * rstd
            be = (params_v[pl.ds(1 * _H + h * _LANE, _LANE)] * sel
                  + params_v[pl.ds(3 * _H + h * _LANE, _LANE)] * inv)
            out_rows[r, hs] = ((xs[h] - mu) * g + be
                               + (ps[h] - mup) * rstdp
                               * params_v[pl.ds(4 * _H + h * _LANE, _LANE)]
                               + params_v[pl.ds(5 * _H + h * _LANE, _LANE)])

    def row_body(i, carry):
        one_row(2 * i)
        one_row(2 * i + 1)
        return carry

    lax.fori_loop(0, 25, row_body, 0)
    pltpu.sync_copy(out_rows, out_hbm.at[pl.ds(bi * 300 + 100 + l0, 50)])
    ce.wait()
    pltpu.sync_copy(enc_buf, out_hbm.at[pl.ds(bi * 300 + qi * 25, 25)])


@functools.partial(
    pl.kernel,
    mesh=plsc.VectorSubcoreMesh(core_axis_name="c", subcore_axis_name="s"),
    out_type=jax.ShapeDtypeStruct((2400, _H), jnp.float32),
    compiler_params=pltpu.CompilerParams(
        use_tc_tiling_on_sc=False, needs_layout_passes=False),
    scratch_types=[
        pltpu.VMEM((2, _RPW), jnp.int32),
        pltpu.VMEM((7 * _H,), jnp.float32),
        pltpu.VMEM((_RPW,), jnp.int32),
        pltpu.VMEM((_RPW,), jnp.int32),
        pltpu.VMEM((_RPW, _H), jnp.float32),
        pltpu.VMEM((_RPW, _H), jnp.float32),
        pltpu.VMEM((50, _H), jnp.float32),
        pltpu.VMEM((50, _H), jnp.float32),
        pltpu.VMEM((_RPW,), jnp.float32),
        pltpu.VMEM((25, _H), jnp.float32),
        pltpu.SemaphoreType.DMA,
        pltpu.SemaphoreType.DMA,
        pltpu.SemaphoreType.DMA,
        pltpu.SemaphoreType.DMA,
        pltpu.SemaphoreType.DMA,
        pltpu.SemaphoreType.DMA,
    ],
)
def _prev_embed_sc(idx3_hbm, params_hbm, cv_hbm, ocr_hbm, pos_hbm, enc_hbm,
                   out_hbm, *scratch):
    _sc_body(idx3_hbm, params_hbm, cv_hbm, ocr_hbm, pos_hbm, enc_hbm,
             out_hbm, *scratch)


def kernel(encoder_input_embed, encoder_input_mask, ocr_emb, common_voc_emb,
           prev_inds, pos_emb, type_emb, cv_gamma, cv_beta, ocr_gamma,
           ocr_beta, emb_gamma, emb_beta):
    b, l = prev_inds.shape
    idx_pad = jnp.pad(prev_inds.reshape(_NW, 50).astype(jnp.int32),
                      ((0, 0), (0, _RPW - 50))).reshape(-1)
    wrk = jnp.arange(_TOT, dtype=jnp.int32) // _RPW
    obase = (wrk // 4) * _OCR
    idx3 = jnp.stack([idx_pad, obase])
    params = jnp.concatenate([cv_gamma, cv_beta, ocr_gamma, ocr_beta,
                              emb_gamma, emb_beta, type_emb[0]])
    ocr_flat = ocr_emb.reshape(-1, _H)
    enc_flat = encoder_input_embed.reshape(-1, _H)

    full = _prev_embed_sc(idx3, params, common_voc_emb, ocr_flat, pos_emb,
                          enc_flat)
    encoder_inputs = full.reshape(b, 300, _H)
    encoder_inputs_mask = jnp.concatenate(
        [encoder_input_mask, jnp.zeros((b, l), jnp.float32)], axis=1)
    ext = jnp.full((b, 1, l, l), -10000.0, jnp.float32)
    return (encoder_inputs, encoder_inputs_mask, ext)

# --- scband reference (transcript-rebuilt; emitter-appended) ---
"""Pipeline reference for scband-multimodal-transformer-decoder-10866267259470 (READ-ONLY COPY).

The authoritative reference and input builder live on the scoring server;
editing this copy changes nothing except your own understanding.
"""

import jax, jax.numpy as jnp
import numpy as np


def layer_norm(x, gamma, beta, eps=1e-5):
    mu = jnp.mean(x, axis=-1, keepdims=True)
    var = jnp.var(x, axis=-1, keepdims=True)
    return (x - mu) / jnp.sqrt(var + eps) * gamma + beta


def setup_inputs(seed: int = 0):
    key = jax.random.key(seed)
    ks = jax.random.split(key, 8)
    B, ENC, OCR, L, V, H, DEC = 8, 100, 50, 200, 100000, 64, 200
    return {
        "encoder_input_embed": jax.random.normal(ks[0], (B, ENC, H), dtype=jnp.float32),
        "encoder_input_mask": jnp.ones((B, ENC), dtype=jnp.float32),
        "ocr_emb": jax.random.normal(ks[1], (B, OCR, H), dtype=jnp.float32),
        "common_voc_emb": jax.random.normal(ks[2], (V, H), dtype=jnp.float32),
        "prev_inds": jax.random.randint(ks[3], (B, L), 0, V + OCR, dtype=jnp.int32),
        "pos_emb": jax.random.normal(ks[4], (DEC, H), dtype=jnp.float32) * 0.02,
        "type_emb": jax.random.normal(ks[5], (2, H), dtype=jnp.float32) * 0.02,
        "cv_gamma": jnp.ones((H,), dtype=jnp.float32),
        "cv_beta": jnp.zeros((H,), dtype=jnp.float32),
        "ocr_gamma": jnp.ones((H,), dtype=jnp.float32),
        "ocr_beta": jnp.zeros((H,), dtype=jnp.float32),
        "emb_gamma": jnp.ones((H,), dtype=jnp.float32),
        "emb_beta": jnp.zeros((H,), dtype=jnp.float32),
    }


def reference(encoder_input_embed, encoder_input_mask, ocr_emb, common_voc_emb, prev_inds,
              pos_emb, type_emb, cv_gamma, cv_beta, ocr_gamma, ocr_beta, emb_gamma, emb_beta):
    B, L = prev_inds.shape
    V, H = common_voc_emb.shape
    # PrevEmbedding forward
    cv = layer_norm(common_voc_emb, cv_gamma, cv_beta)
    oc = layer_norm(ocr_emb, ocr_gamma, ocr_beta)
    cv_b = jnp.broadcast_to(cv[None, :, :], (B, V, H))
    look_up_table = jnp.concatenate([cv_b, oc], axis=1)  # [B, V+OCR, H]
    idx = jnp.broadcast_to(prev_inds[:, :, None].astype(jnp.int32), (B, L, H))
    last_word_embeds = jnp.take_along_axis(look_up_table, idx, axis=1)  # batch gather
    position_ids = jnp.arange(L, dtype=jnp.int32)
    pos_e = jnp.broadcast_to(jnp.take(pos_emb, position_ids, axis=0)[None], (B, L, H))
    type_ids = (position_ids >= V).astype(jnp.int32)
    type_e = jnp.broadcast_to(jnp.take(type_emb, type_ids, axis=0)[None], (B, L, H))
    pos_type = layer_norm(pos_e + type_e, emb_gamma, emb_beta)
    # dropout is identity in eval/reference mode
    prev_embed = last_word_embeds + pos_type
    # MultimodalTransformerDecoder forward
    attention_mask = jnp.zeros((B, L), dtype=jnp.float32)
    encoder_inputs = jnp.concatenate([encoder_input_embed, prev_embed], axis=1)
    encoder_inputs_mask = jnp.concatenate([encoder_input_mask, attention_mask], axis=1)
    ext = jnp.broadcast_to(attention_mask[:, None, None, :], (B, 1, L, L))
    # causal-mask assignment slice [dec_input_end:, dec_input_end:] is empty since
    # dec_input_end = ENC + 1 + L > L (the repeated-mask size), so nothing to write
    ext = (1.0 - ext) * -10000.0
    return (encoder_inputs, encoder_inputs_mask, ext)

if __name__ == "__main__":
    import jax
    _d = setup_inputs()
    print(jax.jit(kernel)(*tuple(_d.values())))

</pallas_src>

<mosaic_0001>
#map = affine_map<(d0, d1) -> (0, 0)>
#map1 = affine_map<(d0, d1) -> (0)>
module attributes {stable_mosaic.version = 14 : i64} {
  func.func @_prev_embed_sc(%arg0: i32, %arg1: i32, %arg2: memref<2x2048xi32, #tpu.memory_space<hbm>>, %arg3: memref<448xf32, #tpu.memory_space<hbm>>, %arg4: memref<100000x64xf32, #tpu.memory_space<hbm>>, %arg5: memref<400x64xf32, #tpu.memory_space<hbm>>, %arg6: memref<200x64xf32, #tpu.memory_space<hbm>>, %arg7: memref<800x64xf32, #tpu.memory_space<hbm>>, %arg8: memref<2400x64xf32, #tpu.memory_space<hbm>>, %arg9: memref<2x64xi32, #tpu.memory_space<vmem>>, %arg10: memref<448xf32, #tpu.memory_space<vmem>>, %arg11: memref<64xi32, #tpu.memory_space<vmem>>, %arg12: memref<64xi32, #tpu.memory_space<vmem>>, %arg13: memref<64x64xf32, #tpu.memory_space<vmem>>, %arg14: memref<64x64xf32, #tpu.memory_space<vmem>>, %arg15: memref<50x64xf32, #tpu.memory_space<vmem>>, %arg16: memref<50x64xf32, #tpu.memory_space<vmem>>, %arg17: memref<64xf32, #tpu.memory_space<vmem>>, %arg18: memref<25x64xf32, #tpu.memory_space<vmem>>, %arg19: memref<!tpu.dma_semaphore, #tpu.memory_space<semaphore_mem>>, %arg20: memref<!tpu.dma_semaphore, #tpu.memory_space<semaphore_mem>>, %arg21: memref<!tpu.dma_semaphore, #tpu.memory_space<semaphore_mem>>, %arg22: memref<!tpu.dma_semaphore, #tpu.memory_space<semaphore_mem>>, %arg23: memref<!tpu.dma_semaphore, #tpu.memory_space<semaphore_mem>>, %arg24: memref<!tpu.dma_semaphore, #tpu.memory_space<semaphore_mem>>) attributes {dimension_semantics = [#tpu.dimension_semantics<core_parallel>, #tpu.dimension_semantics<subcore_parallel>], iteration_bounds = array<i64: 2, 16>, scalar_prefetch = 0 : i64, scratch_operands = 16 : i64, tpu.core_type = #tpu.core_type<sc_vector_subcore>, window_params = [{transform_indices = #map}, {transform_indices = #map1}, {transform_indices = #map}, {transform_indices = #map}, {transform_indices = #map}, {transform_indices = #map}, {transform_indices = #map}]} {
    %mul3A = arith.constant 2 : i32
    %mul3A_0 = arith.muli %arg1, %mul3A : i32
    %add3A = arith.addi %mul3A_0, %arg0 : i32
    %mul3A_1 = arith.constant 64 : i32
    %mul3A_2 = arith.muli %add3A, %mul3A_1 : i32
    %shift_right_arithmetic3A = arith.constant 2 : i32
    %shift_right_arithmetic3A_3 = arith.shrsi %add3A, %shift_right_arithmetic3A : i32
    %and3A = arith.constant 3 : i32
    %and3A_4 = arith.andi %add3A, %and3A : i32
    %dma_start3A = arith.constant 0 : i32
    %dma_start3A_5 = tpu.memref_slice %arg2[%dma_start3A, %mul3A_2] : memref<2x2048xi32, #tpu.memory_space<hbm>> -> memref<2x64xi32, #tpu.memory_space<hbm>>
    %dma_start3A_6 = arith.constant 0 : i32
    %dma_start3A_7 = tpu.memref_slice %arg2[%dma_start3A_6, %mul3A_2] : memref<2x2048xi32, #tpu.memory_space<hbm>> -> memref<2x64xi32, #tpu.memory_space<hbm>>
    tpu.enqueue_dma source(%dma_start3A_7 : memref<2x64xi32, #tpu.memory_space<hbm>>) target(%arg9 : memref<2x64xi32, #tpu.memory_space<vmem>>) target_semaphore(%arg19 : memref<!tpu.dma_semaphore, #tpu.memory_space<semaphore_mem>>)
    tpu.enqueue_dma source(%arg3 : memref<448xf32, #tpu.memory_space<hbm>>) target(%arg10 : memref<448xf32, #tpu.memory_space<vmem>>) target_semaphore(%arg20 : memref<!tpu.dma_semaphore, #tpu.memory_space<semaphore_mem>>)
    %mul3A_8 = arith.constant 50 : i32
    %mul3A_9 = arith.muli %and3A_4, %mul3A_8 : i32
    %dma_start3A_10 = arith.constant 0 : i32
    %dma_start3A_11 = tpu.memref_slice %arg6[%mul3A_9, %dma_start3A_10] : memref<200x64xf32, #tpu.memory_space<hbm>> -> memref<50x64xf32, #tpu.memory_space<hbm>>
    %dma_start3A_12 = arith.constant 0 : i32
    %dma_start3A_13 = tpu.memref_slice %arg6[%mul3A_9, %dma_start3A_12] : memref<200x64xf32, #tpu.memory_space<hbm>> -> memref<50x64xf32, #tpu.memory_space<hbm>>
    tpu.enqueue_dma source(%dma_start3A_13 : memref<50x64xf32, #tpu.memory_space<hbm>>) target(%arg15 : memref<50x64xf32, #tpu.memory_space<vmem>>) target_semaphore(%arg23 : memref<!tpu.dma_semaphore, #tpu.memory_space<semaphore_mem>>)
    %mul3A_14 = arith.constant 25 : i32
    %mul3A_15 = arith.muli %add3A, %mul3A_14 : i32
    %dma_start3A_16 = arith.constant 0 : i32
    %dma_start3A_17 = tpu.memref_slice %arg7[%mul3A_15, %dma_start3A_16] : memref<800x64xf32, #tpu.memory_space<hbm>> -> memref<25x64xf32, #tpu.memory_space<hbm>>
    %dma_start3A_18 = arith.constant 0 : i32
    %dma_start3A_19 = tpu.memref_slice %arg7[%mul3A_15, %dma_start3A_18] : memref<800x64xf32, #tpu.memory_space<hbm>> -> memref<25x64xf32, #tpu.memory_space<hbm>>
    tpu.enqueue_dma source(%dma_start3A_19 : memref<25x64xf32, #tpu.memory_space<hbm>>) target(%arg18 : memref<25x64xf32, #tpu.memory_space<vmem>>) target_semaphore(%arg24 : memref<!tpu.dma_semaphore, #tpu.memory_space<semaphore_mem>>)
    %dma_wait3A = arith.constant 0 : i32
    %dma_wait3A_20 = tpu.memref_slice %arg2[%dma_wait3A, %mul3A_2] : memref<2x2048xi32, #tpu.memory_space<hbm>> -> memref<2x64xi32, #tpu.memory_space<hbm>>
    %dma_wait3A_21 = arith.constant 0 : i32
    %dma_wait3A_22 = tpu.memref_slice %arg2[%dma_wait3A_21, %mul3A_2] : memref<2x2048xi32, #tpu.memory_space<hbm>> -> memref<2x64xi32, #tpu.memory_space<hbm>>
    tpu.wait_dma2 semaphore(%arg19 : memref<!tpu.dma_semaphore, #tpu.memory_space<semaphore_mem>>) src(%dma_wait3A_22 : memref<2x64xi32, #tpu.memory_space<hbm>>) dst(%arg9 : memref<2x64xi32, #tpu.memory_space<vmem>>)
    %iota3A = tpu.iota {dimensions = array<i32: 0>} : vector<16xi32>
    %get3A = arith.constant 0 : i32
    %get3A_23 = arith.index_cast %get3A : i32 to index
    %get3A_24 = arith.constant 0 : index
    %get3A_25 = tpu.vector_load %arg9[%get3A_23, %get3A_24] {strides = array<i32>} : memref<2x64xi32, #tpu.memory_space<vmem>>, vector<16xi32>,
    %lt3A = arith.constant 100000 : i32
    %lt3A_26 = vector.broadcast %lt3A : i32 to vector<16xi32>
    %lt3A_27 = arith.cmpi slt, %get3A_25, %lt3A_26 : vector<16xi32>
    %add3A_28 = arith.constant 0 : i32
    %add3A_29 = vector.broadcast %add3A_28 : i32 to vector<16xi32>
    %add3A_30 = arith.addi %add3A_29, %iota3A : vector<16xi32>
    %select_n3A = arith.select %lt3A_27, %get3A_25, %add3A_30 : vector<16xi1>, vector<16xi32>
    %swap3A = arith.constant 0 : index
    %swap3A_31 = tpu.vector_load %arg11[%swap3A] {strides = array<i32>} : memref<64xi32, #tpu.memory_space<vmem>>, vector<16xi32>,
    tpu.vector_store %arg11[%swap3A], %select_n3A {strides = array<i32>} : memref<64xi32, #tpu.memory_space<vmem>>, vector<16xi32>,
    %add3A_32 = arith.constant 0 : i32
    %add3A_33 = vector.broadcast %add3A_32 : i32 to vector<16xi32>
    %add3A_34 = arith.addi %add3A_33, %iota3A : vector<16xi32>
    %get3A_35 = arith.constant 1 : i32
    %get3A_36 = arith.index_cast %get3A_35 : i32 to index
    %get3A_37 = arith.constant 0 : index
    %get3A_38 = tpu.vector_load %arg9[%get3A_36, %get3A_37] {strides = array<i32>} : memref<2x64xi32, #tpu.memory_space<vmem>>, vector<16xi32>,
    %sub3A = arith.constant 100000 : i32
    %sub3A_39 = vector.broadcast %sub3A : i32 to vector<16xi32>
    %sub3A_40 = arith.subi %get3A_25, %sub3A_39 : vector<16xi32>
    %add3A_41 = arith.addi %get3A_38, %sub3A_40 : vector<16xi32>
    %select_n3A_42 = arith.select %lt3A_27, %add3A_34, %add3A_41 : vector<16xi1>, vector<16xi32>
    %swap3A_43 = arith.constant 0 : index
    %swap3A_44 = tpu.vector_load %arg12[%swap3A_43] {strides = array<i32>} : memref<64xi32, #tpu.memory_space<vmem>>, vector<16xi32>,
    tpu.vector_store %arg12[%swap3A_43], %select_n3A_42 {strides = array<i32>} : memref<64xi32, #tpu.memory_space<vmem>>, vector<16xi32>,
    %jit3A = arith.constant 1.000000e+00 : f32
    %jit3A_45 = arith.constant 0.000000e+00 : f32
    %broadcast_in_dim3A = vector.broadcast %jit3A : f32 to vector<16xf32>
    %broadcast_in_dim3A_46 = vector.broadcast %jit3A_45 : f32 to vector<16xf32>
    %select_n3A_47 = arith.select %lt3A_27, %broadcast_in_dim3A, %broadcast_in_dim3A_46 : vector<16xi1>, vector<16xf32>
    %swap3A_48 = arith.constant 0 : index
    %swap3A_49 = tpu.vector_load %arg17[%swap3A_48] {strides = array<i32>} : memref<64xf32, #tpu.memory_space<vmem>>, vector<16xf32>,
    tpu.vector_store %arg17[%swap3A_48], %select_n3A_47 {strides = array<i32>} : memref<64xf32, #tpu.memory_space<vmem>>, vector<16xf32>,
    %get3A_50 = arith.constant 0 : i32
    %get3A_51 = arith.index_cast %get3A_50 : i32 to index
    %get3A_52 = arith.constant 16 : index
    %get3A_53 = tpu.vector_load %arg9[%get3A_51, %get3A_52] {strides = array<i32>} : memref<2x64xi32, #tpu.memory_space<vmem>>, vector<16xi32>,
    %lt3A_54 = arith.constant 100000 : i32
    %lt3A_55 = vector.broadcast %lt3A_54 : i32 to vector<16xi32>
    %lt3A_56 = arith.cmpi slt, %get3A_53, %lt3A_55 : vector<16xi32>
    %add3A_57 = arith.constant 16 : i32
    %add3A_58 = vector.broadcast %add3A_57 : i32 to vector<16xi32>
    %add3A_59 = arith.addi %add3A_58, %iota3A : vector<16xi32>
    %select_n3A_60 = arith.select %lt3A_56, %get3A_53, %add3A_59 : vector<16xi1>, vector<16xi32>
    %swap3A_61 = arith.constant 16 : index
    %swap3A_62 = tpu.vector_load %arg11[%swap3A_61] {strides = array<i32>} : memref<64xi32, #tpu.memory_space<vmem>>, vector<16xi32>,
    tpu.vector_store %arg11[%swap3A_61], %select_n3A_60 {strides = array<i32>} : memref<64xi32, #tpu.memory_space<vmem>>, vector<16xi32>,
    %add3A_63 = arith.constant 16 : i32
    %add3A_64 = vector.broadcast %add3A_63 : i32 to vector<16xi32>
    %add3A_65 = arith.addi %add3A_64, %iota3A : vector<16xi32>
    %get3A_66 = arith.constant 1 : i32
    %get3A_67 = arith.index_cast %get3A_66 : i32 to index
    %get3A_68 = arith.constant 16 : index
    %get3A_69 = tpu.vector_load %arg9[%get3A_67, %get3A_68] {strides = array<i32>} : memref<2x64xi32, #tpu.memory_space<vmem>>, vector<16xi32>,
    %sub3A_70 = arith.constant 100000 : i32
    %sub3A_71 = vector.broadcast %sub3A_70 : i32 to vector<16xi32>
    %sub3A_72 = arith.subi %get3A_53, %sub3A_71 : vector<16xi32>
    %add3A_73 = arith.addi %get3A_69, %sub3A_72 : vector<16xi32>
    %select_n3A_74 = arith.select %lt3A_56, %add3A_65, %add3A_73 : vector<16xi1>, vector<16xi32>
    %swap3A_75 = arith.constant 16 : index
    %swap3A_76 = tpu.vector_load %arg12[%swap3A_75] {strides = array<i32>} : memref<64xi32, #tpu.memory_space<vmem>>, vector<16xi32>,
    tpu.vector_store %arg12[%swap3A_75], %select_n3A_74 {strides = array<i32>} : memref<64xi32, #tpu.memory_space<vmem>>, vector<16xi32>,
    %jit3A_77 = arith.constant 1.000000e+00 : f32
    %jit3A_78 = arith.constant 0.000000e+00 : f32
    %broadcast_in_dim3A_79 = vector.broadcast %jit3A_77 : f32 to vector<16xf32>
    %broadcast_in_dim3A_80 = vector.broadcast %jit3A_78 : f32 to vector<16xf32>
    %select_n3A_81 = arith.select %lt3A_56, %broadcast_in_dim3A_79, %broadcast_in_dim3A_80 : vector<16xi1>, vector<16xf32>
    %swap3A_82 = arith.constant 16 : index
    %swap3A_83 = tpu.vector_load %arg17[%swap3A_82] {strides = array<i32>} : memref<64xf32, #tpu.memory_space<vmem>>, vector<16xf32>,
    tpu.vector_store %arg17[%swap3A_82], %select_n3A_81 {strides = array<i32>} : memref<64xf32, #tpu.memory_space<vmem>>, vector<16xf32>,
    %get3A_84 = arith.constant 0 : i32
    %get3A_85 = arith.index_cast %get3A_84 : i32 to index
    %get3A_86 = arith.constant 32 : index
    %get3A_87 = tpu.vector_load %arg9[%get3A_85, %get3A_86] {strides = array<i32>} : memref<2x64xi32, #tpu.memory_space<vmem>>, vector<16xi32>,
    %lt3A_88 = arith.constant 100000 : i32
    %lt3A_89 = vector.broadcast %lt3A_88 : i32 to vector<16xi32>
    %lt3A_90 = arith.cmpi slt, %get3A_87, %lt3A_89 : vector<16xi32>
    %add3A_91 = arith.constant 32 : i32
    %add3A_92 = vector.broadcast %add3A_91 : i32 to vector<16xi32>
    %add3A_93 = arith.addi %add3A_92, %iota3A : vector<16xi32>
    %select_n3A_94 = arith.select %lt3A_90, %get3A_87, %add3A_93 : vector<16xi1>, vector<16xi32>
    %swap3A_95 = arith.constant 32 : index
    %swap3A_96 = tpu.vector_load %arg11[%swap3A_95] {strides = array<i32>} : memref<64xi32, #tpu.memory_space<vmem>>, vector<16xi32>,
    tpu.vector_store %arg11[%swap3A_95], %select_n3A_94 {strides = array<i32>} : memref<64xi32, #tpu.memory_space<vmem>>, vector<16xi32>,
    %add3A_97 = arith.constant 32 : i32
    %add3A_98 = vector.broadcast %add3A_97 : i32 to vector<16xi32>
    %add3A_99 = arith.addi %add3A_98, %iota3A : vector<16xi32>
    %get3A_100 = arith.constant 1 : i32
    %get3A_101 = arith.index_cast %get3A_100 : i32 to index
    %get3A_102 = arith.constant 32 : index
    %get3A_103 = tpu.vector_load %arg9[%get3A_101, %get3A_102] {strides = array<i32>} : memref<2x64xi32, #tpu.memory_space<vmem>>, vector<16xi32>,
    %sub3A_104 = arith.constant 100000 : i32
    %sub3A_105 = vector.broadcast %sub3A_104 : i32 to vector<16xi32>
    %sub3A_106 = arith.subi %get3A_87, %sub3A_105 : vector<16xi32>
    %add3A_107 = arith.addi %get3A_103, %sub3A_106 : vector<16xi32>
    %select_n3A_108 = arith.select %lt3A_90, %add3A_99, %add3A_107 : vector<16xi1>, vector<16xi32>
    %swap3A_109 = arith.constant 32 : index
    %swap3A_110 = tpu.vector_load %arg12[%swap3A_109] {strides = array<i32>} : memref<64xi32, #tpu.memory_space<vmem>>, vector<16xi32>,
    tpu.vector_store %arg12[%swap3A_109], %select_n3A_108 {strides = array<i32>} : memref<64xi32, #tpu.memory_space<vmem>>, vector<16xi32>,
    %jit3A_111 = arith.constant 1.000000e+00 : f32
    %jit3A_112 = arith.constant 0.000000e+00 : f32
    %broadcast_in_dim3A_113 = vector.broadcast %jit3A_111 : f32 to vector<16xf32>
    %broadcast_in_dim3A_114 = vector.broadcast %jit3A_112 : f32 to vector<16xf32>
    %select_n3A_115 = arith.select %lt3A_90, %broadcast_in_dim3A_113, %broadcast_in_dim3A_114 : vector<16xi1>, vector<16xf32>
    %swap3A_116 = arith.constant 32 : index
    %swap3A_117 = tpu.vector_load %arg17[%swap3A_116] {strides = array<i32>} : memref<64xf32, #tpu.memory_space<vmem>>, vector<16xf32>,
    tpu.vector_store %arg17[%swap3A_116], %select_n3A_115 {strides = array<i32>} : memref<64xf32, #tpu.memory_space<vmem>>, vector<16xf32>,
    %get3A_118 = arith.constant 0 : i32
    %get3A_119 = arith.index_cast %get3A_118 : i32 to index
    %get3A_120 = arith.constant 48 : index
    %get3A_121 = tpu.vector_load %arg9[%get3A_119, %get3A_120] {strides = array<i32>} : memref<2x64xi32, #tpu.memory_space<vmem>>, vector<16xi32>,
    %lt3A_122 = arith.constant 100000 : i32
    %lt3A_123 = vector.broadcast %lt3A_122 : i32 to vector<16xi32>
    %lt3A_124 = arith.cmpi slt, %get3A_121, %lt3A_123 : vector<16xi32>
    %add3A_125 = arith.constant 48 : i32
    %add3A_126 = vector.broadcast %add3A_125 : i32 to vector<16xi32>
    %add3A_127 = arith.addi %add3A_126, %iota3A : vector<16xi32>
    %select_n3A_128 = arith.select %lt3A_124, %get3A_121, %add3A_127 : vector<16xi1>, vector<16xi32>
    %swap3A_129 = arith.constant 48 : index
    %swap3A_130 = tpu.vector_load %arg11[%swap3A_129] {strides = array<i32>} : memref<64xi32, #tpu.memory_space<vmem>>, vector<16xi32>,
    tpu.vector_store %arg11[%swap3A_129], %select_n3A_128 {strides = array<i32>} : memref<64xi32, #tpu.memory_space<vmem>>, vector<16xi32>,
    %add3A_131 = arith.constant 48 : i32
    %add3A_132 = vector.broadcast %add3A_131 : i32 to vector<16xi32>
    %add3A_133 = arith.addi %add3A_132, %iota3A : vector<16xi32>
    %get3A_134 = arith.constant 1 : i32
    %get3A_135 = arith.index_cast %get3A_134 : i32 to index
    %get3A_136 = arith.constant 48 : index
    %get3A_137 = tpu.vector_load %arg9[%get3A_135, %get3A_136] {strides = array<i32>} : memref<2x64xi32, #tpu.memory_space<vmem>>, vector<16xi32>,
    %sub3A_138 = arith.constant 100000 : i32
    %sub3A_139 = vector.broadcast %sub3A_138 : i32 to vector<16xi32>
    %sub3A_140 = arith.subi %get3A_121, %sub3A_139 : vector<16xi32>
    %add3A_141 = arith.addi %get3A_137, %sub3A_140 : vector<16xi32>
    %select_n3A_142 = arith.select %lt3A_124, %add3A_133, %add3A_141 : vector<16xi1>, vector<16xi32>
    %swap3A_143 = arith.constant 48 : index
    %swap3A_144 = tpu.vector_load %arg12[%swap3A_143] {strides = array<i32>} : memref<64xi32, #tpu.memory_space<vmem>>, vector<16xi32>,
    tpu.vector_store %arg12[%swap3A_143], %select_n3A_142 {strides = array<i32>} : memref<64xi32, #tpu.memory_space<vmem>>, vector<16xi32>,
    %jit3A_145 = arith.constant 1.000000e+00 : f32
    %jit3A_146 = arith.constant 0.000000e+00 : f32
    %broadcast_in_dim3A_147 = vector.broadcast %jit3A_145 : f32 to vector<16xf32>
    %broadcast_in_dim3A_148 = vector.broadcast %jit3A_146 : f32 to vector<16xf32>
    %select_n3A_149 = arith.select %lt3A_124, %broadcast_in_dim3A_147, %broadcast_in_dim3A_148 : vector<16xi1>, vector<16xf32>
    %swap3A_150 = arith.constant 48 : index
    %swap3A_151 = tpu.vector_load %arg17[%swap3A_150] {strides = array<i32>} : memref<64xf32, #tpu.memory_space<vmem>>, vector<16xf32>,
    tpu.vector_store %arg17[%swap3A_150], %select_n3A_149 {strides = array<i32>} : memref<64xf32, #tpu.memory_space<vmem>>, vector<16xf32>,
    %dma_start3A_152 = arith.constant 0 : i32
    %dma_start3A_153 = arith.constant 0 : i32
    %dma_start3A_154 = tpu.memref_slice %arg4[%dma_start3A_152, %dma_start3A_153] : memref<100000x64xf32, #tpu.memory_space<hbm>> -> memref<100000x64xf32, #tpu.memory_space<hbm>>
    tpu.enqueue_indirect_dma source(%dma_start3A_154 : memref<100000x64xf32, #tpu.memory_space<hbm>>) target(%arg13 : memref<64x64xf32, #tpu.memory_space<vmem>>) offsets(%arg11 : memref<64xi32, #tpu.memory_space<vmem>>) semaphore(%arg21 : memref<!tpu.dma_semaphore, #tpu.memory_space<semaphore_mem>>)
    %dma_start3A_155 = arith.constant 0 : i32
    %dma_start3A_156 = arith.constant 0 : i32
    %dma_start3A_157 = tpu.memref_slice %arg5[%dma_start3A_155, %dma_start3A_156] : memref<400x64xf32, #tpu.memory_space<hbm>> -> memref<400x64xf32, #tpu.memory_space<hbm>>
    tpu.enqueue_indirect_dma source(%dma_start3A_157 : memref<400x64xf32, #tpu.memory_space<hbm>>) target(%arg14 : memref<64x64xf32, #tpu.memory_space<vmem>>) offsets(%arg12 : memref<64xi32, #tpu.memory_space<vmem>>) semaphore(%arg22 : memref<!tpu.dma_semaphore, #tpu.memory_space<semaphore_mem>>)
    %dma_wait3A_158 = arith.constant 0 : i32
    %dma_wait3A_159 = arith.constant 0 : i32
    %dma_wait3A_160 = tpu.memref_slice %arg4[%dma_wait3A_158, %dma_wait3A_159] : memref<100000x64xf32, #tpu.memory_space<hbm>> -> memref<100000x64xf32, #tpu.memory_space<hbm>>
    tpu.wait_indirect_dma semaphore(%arg21 : memref<!tpu.dma_semaphore, #tpu.memory_space<semaphore_mem>>) src(%dma_wait3A_160 : memref<100000x64xf32, #tpu.memory_space<hbm>>) dst(%arg13 : memref<64x64xf32, #tpu.memory_space<vmem>>)
    %dma_wait3A_161 = arith.constant 0 : i32
    %dma_wait3A_162 = arith.constant 0 : i32
    %dma_wait3A_163 = tpu.memref_slice %arg5[%dma_wait3A_161, %dma_wait3A_162] : memref<400x64xf32, #tpu.memory_space<hbm>> -> memref<400x64xf32, #tpu.memory_space<hbm>>
    tpu.wait_indirect_dma semaphore(%arg22 : memref<!tpu.dma_semaphore, #tpu.memory_space<semaphore_mem>>) src(%dma_wait3A_163 : memref<400x64xf32, #tpu.memory_space<hbm>>) dst(%arg14 : memref<64x64xf32, #tpu.memory_space<vmem>>)
    %dma_wait3A_164 = arith.constant 0 : i32
    %dma_wait3A_165 = tpu.memref_slice %arg6[%mul3A_9, %dma_wait3A_164] : memref<200x64xf32, #tpu.memory_space<hbm>> -> memref<50x64xf32, #tpu.memory_space<hbm>>
    %dma_wait3A_166 = arith.constant 0 : i32
    %dma_wait3A_167 = tpu.memref_slice %arg6[%mul3A_9, %dma_wait3A_166] : memref<200x64xf32, #tpu.memory_space<hbm>> -> memref<50x64xf32, #tpu.memory_space<hbm>>
    tpu.wait_dma2 semaphore(%arg23 : memref<!tpu.dma_semaphore, #tpu.memory_space<semaphore_mem>>) src(%dma_wait3A_167 : memref<50x64xf32, #tpu.memory_space<hbm>>) dst(%arg15 : memref<50x64xf32, #tpu.memory_space<vmem>>)
    tpu.wait_dma2 semaphore(%arg20 : memref<!tpu.dma_semaphore, #tpu.memory_space<semaphore_mem>>) src(%arg3 : memref<448xf32, #tpu.memory_space<hbm>>) dst(%arg10 : memref<448xf32, #tpu.memory_space<vmem>>)
    %scan3A = arith.constant 0 : i32
    %scan3A_168 = arith.constant 0 : i32
    %scan3A_169 = arith.constant 25 : i32
    %scan3A_170 = arith.addi %scan3A_168, %scan3A_169 : i32
    %scan3A_171 = arith.constant 1 : i32
    scf.for %scan3A_187 = %scan3A_168 to %scan3A_170 step %scan3A_171  : i32 {
      %mul3A_188 = arith.constant 2 : i32
      %mul3A_189 = arith.muli %mul3A_188, %scan3A_187 : i32
      %broadcast_in_dim3A_190 = vector.broadcast %mul3A_189 : i32 to vector<16xi32>
      %gather3A = tpu.vector_load_idx %arg17[%broadcast_in_dim3A_190] : memref<64xf32, #tpu.memory_space<vmem>>[vector<16xi32>], vector<16xf32>,
      %sub3A_191 = arith.constant 1.000000e+00 : f32
      %sub3A_192 = vector.broadcast %sub3A_191 : f32 to vector<16xf32>
      %sub3A_193 = arith.subf %sub3A_192, %gather3A : vector<16xf32>
      %get3A_194 = arith.index_cast %mul3A_189 : i32 to index
      %get3A_195 = arith.constant 0 : index
      %get3A_196 = tpu.vector_load %arg13[%get3A_194, %get3A_195] {strides = array<i32>} : memref<64x64xf32, #tpu.memory_space<vmem>>, vector<16xf32>,
      %mul3A_197 = arith.mulf %get3A_196, %gather3A : vector<16xf32>
      %get3A_198 = arith.index_cast %mul3A_189 : i32 to index
      %get3A_199 = arith.constant 0 : index
      %get3A_200 = tpu.vector_load %arg14[%get3A_198, %get3A_199] {strides = array<i32>} : memref<64x64xf32, #tpu.memory_space<vmem>>, vector<16xf32>,
      %mul3A_201 = arith.mulf %get3A_200, %sub3A_193 : vector<16xf32>
      %add3A_202 = arith.addf %mul3A_197, %mul3A_201 : vector<16xf32>
      %get3A_203 = arith.index_cast %mul3A_189 : i32 to index
      %get3A_204 = arith.constant 0 : index
      %get3A_205 = tpu.vector_load %arg15[%get3A_203, %get3A_204] {strides = array<i32>} : memref<50x64xf32, #tpu.memory_space<vmem>>, vector<16xf32>,
      %get3A_206 = arith.constant 384 : index
      %get3A_207 = tpu.vector_load %arg10[%get3A_206] {strides = array<i32>} : memref<448xf32, #tpu.memory_space<vmem>>, vector<16xf32>,
      %add3A_208 = arith.addf %get3A_205, %get3A_207 : vector<16xf32>
      %get3A_209 = arith.index_cast %mul3A_189 : i32 to index
      %get3A_210 = arith.constant 16 : index
      %get3A_211 = tpu.vector_load %arg13[%get3A_209, %get3A_210] {strides = array<i32>} : memref<64x64xf32, #tpu.memory_space<vmem>>, vector<16xf32>,
      %mul3A_212 = arith.mulf %get3A_211, %gather3A : vector<16xf32>
      %get3A_213 = arith.index_cast %mul3A_189 : i32 to index
      %get3A_214 = arith.constant 16 : index
      %get3A_215 = tpu.vector_load %arg14[%get3A_213, %get3A_214] {strides = array<i32>} : memref<64x64xf32, #tpu.memory_space<vmem>>, vector<16xf32>,
      %mul3A_216 = arith.mulf %get3A_215, %sub3A_193 : vector<16xf32>
      %add3A_217 = arith.addf %mul3A_212, %mul3A_216 : vector<16xf32>
      %get3A_218 = arith.index_cast %mul3A_189 : i32 to index
      %get3A_219 = arith.constant 16 : index
      %get3A_220 = tpu.vector_load %arg15[%get3A_218, %get3A_219] {strides = array<i32>} : memref<50x64xf32, #tpu.memory_space<vmem>>, vector<16xf32>,
      %get3A_221 = arith.constant 400 : index
      %get3A_222 = tpu.vector_load %arg10[%get3A_221] {strides = array<i32>} : memref<448xf32, #tpu.memory_space<vmem>>, vector<16xf32>,
      %add3A_223 = arith.addf %get3A_220, %get3A_222 : vector<16xf32>
      %get3A_224 = arith.index_cast %mul3A_189 : i32 to index
      %get3A_225 = arith.constant 32 : index
      %get3A_226 = tpu.vector_load %arg13[%get3A_224, %get3A_225] {strides = array<i32>} : memref<64x64xf32, #tpu.memory_space<vmem>>, vector<16xf32>,
      %mul3A_227 = arith.mulf %get3A_226, %gather3A : vector<16xf32>
      %get3A_228 = arith.index_cast %mul3A_189 : i32 to index
      %get3A_229 = arith.constant 32 : index
      %get3A_230 = tpu.vector_load %arg14[%get3A_228, %get3A_229] {strides = array<i32>} : memref<64x64xf32, #tpu.memory_space<vmem>>, vector<16xf32>,
      %mul3A_231 = arith.mulf %get3A_230, %sub3A_193 : vector<16xf32>
      %add3A_232 = arith.addf %mul3A_227, %mul3A_231 : vector<16xf32>
      %get3A_233 = arith.index_cast %mul3A_189 : i32 to index
      %get3A_234 = arith.constant 32 : index
      %get3A_235 = tpu.vector_load %arg15[%get3A_233, %get3A_234] {strides = array<i32>} : memref<50x64xf32, #tpu.memory_space<vmem>>, vector<16xf32>,
      %get3A_236 = arith.constant 416 : index
      %get3A_237 = tpu.vector_load %arg10[%get3A_236] {strides = array<i32>} : memref<448xf32, #tpu.memory_space<vmem>>, vector<16xf32>,
      %add3A_238 = arith.addf %get3A_235, %get3A_237 : vector<16xf32>
      %get3A_239 = arith.index_cast %mul3A_189 : i32 to index
      %get3A_240 = arith.constant 48 : index
      %get3A_241 = tpu.vector_load %arg13[%get3A_239, %get3A_240] {strides = array<i32>} : memref<64x64xf32, #tpu.memory_space<vmem>>, vector<16xf32>,
      %mul3A_242 = arith.mulf %get3A_241, %gather3A : vector<16xf32>
      %get3A_243 = arith.index_cast %mul3A_189 : i32 to index
      %get3A_244 = arith.constant 48 : index
      %get3A_245 = tpu.vector_load %arg14[%get3A_243, %get3A_244] {strides = array<i32>} : memref<64x64xf32, #tpu.memory_space<vmem>>, vector<16xf32>,
      %mul3A_246 = arith.mulf %get3A_245, %sub3A_193 : vector<16xf32>
      %add3A_247 = arith.addf %mul3A_242, %mul3A_246 : vector<16xf32>
      %get3A_248 = arith.index_cast %mul3A_189 : i32 to index
      %get3A_249 = arith.constant 48 : index
      %get3A_250 = tpu.vector_load %arg15[%get3A_248, %get3A_249] {strides = array<i32>} : memref<50x64xf32, #tpu.memory_space<vmem>>, vector<16xf32>,
      %get3A_251 = arith.constant 432 : index
      %get3A_252 = tpu.vector_load %arg10[%get3A_251] {strides = array<i32>} : memref<448xf32, #tpu.memory_space<vmem>>, vector<16xf32>,
      %add3A_253 = arith.addf %get3A_250, %get3A_252 : vector<16xf32>
      %add3A_254 = arith.addf %add3A_202, %add3A_217 : vector<16xf32>
      %add3A_255 = arith.addf %add3A_232, %add3A_247 : vector<16xf32>
      %add3A_256 = arith.addf %add3A_254, %add3A_255 : vector<16xf32>
      %mul3A_257 = arith.mulf %add3A_202, %add3A_202 : vector<16xf32>
      %mul3A_258 = arith.mulf %add3A_217, %add3A_217 : vector<16xf32>
      %add3A_259 = arith.addf %mul3A_257, %mul3A_258 : vector<16xf32>
      %mul3A_260 = arith.mulf %add3A_232, %add3A_232 : vector<16xf32>
      %mul3A_261 = arith.mulf %add3A_247, %add3A_247 : vector<16xf32>
      %add3A_262 = arith.addf %mul3A_260, %mul3A_261 : vector<16xf32>
      %add3A_263 = arith.addf %add3A_259, %add3A_262 : vector<16xf32>
      %add3A_264 = arith.addf %add3A_208, %add3A_223 : vector<16xf32>
      %add3A_265 = arith.addf %add3A_238, %add3A_253 : vector<16xf32>
      %add3A_266 = arith.addf %add3A_264, %add3A_265 : vector<16xf32>
      %mul3A_267 = arith.mulf %add3A_208, %add3A_208 : vector<16xf32>
      %mul3A_268 = arith.mulf %add3A_223, %add3A_223 : vector<16xf32>
      %add3A_269 = arith.addf %mul3A_267, %mul3A_268 : vector<16xf32>
      %mul3A_270 = arith.mulf %add3A_238, %add3A_238 : vector<16xf32>
      %mul3A_271 = arith.mulf %add3A_253, %add3A_253 : vector<16xf32>
      %add3A_272 = arith.addf %mul3A_270, %mul3A_271 : vector<16xf32>
      %add3A_273 = arith.addf %add3A_269, %add3A_272 : vector<16xf32>
      %reduce_sum3A = arith.constant true
      %reduce_sum3A_274 = vector.broadcast %reduce_sum3A : i1 to vector<16xi1>
      %reduce_sum3A_275 = tpu.scan <sum>, %add3A_256 masked %reduce_sum3A_274 : vector<16xf32>, vector<16xi1> -> vector<16xf32>
      %reduce_sum3A_276 = vector.extract %reduce_sum3A_275[15] : f32 from vector<16xf32>
      %mul3A_277 = arith.constant 1.562500e-02 : f32
      %mul3A_278 = arith.mulf %reduce_sum3A_276, %mul3A_277 : f32
      %reduce_sum3A_279 = arith.constant true
      %reduce_sum3A_280 = vector.broadcast %reduce_sum3A_279 : i1 to vector<16xi1>
      %reduce_sum3A_281 = tpu.scan <sum>, %add3A_266 masked %reduce_sum3A_280 : vector<16xf32>, vector<16xi1> -> vector<16xf32>
      %reduce_sum3A_282 = vector.extract %reduce_sum3A_281[15] : f32 from vector<16xf32>
      %mul3A_283 = arith.constant 1.562500e-02 : f32
      %mul3A_284 = arith.mulf %reduce_sum3A_282, %mul3A_283 : f32
      %reduce_sum3A_285 = arith.constant true
      %reduce_sum3A_286 = vector.broadcast %reduce_sum3A_285 : i1 to vector<16xi1>
      %reduce_sum3A_287 = tpu.scan <sum>, %add3A_263 masked %reduce_sum3A_286 : vector<16xf32>, vector<16xi1> -> vector<16xf32>
      %reduce_sum3A_288 = vector.extract %reduce_sum3A_287[15] : f32 from vector<16xf32>
      %mul3A_289 = arith.constant 1.562500e-02 : f32
      %mul3A_290 = arith.mulf %reduce_sum3A_288, %mul3A_289 : f32
      %mul3A_291 = arith.mulf %mul3A_278, %mul3A_278 : f32
      %sub3A_292 = arith.subf %mul3A_290, %mul3A_291 : f32
      %reduce_sum3A_293 = arith.constant true
      %reduce_sum3A_294 = vector.broadcast %reduce_sum3A_293 : i1 to vector<16xi1>
      %reduce_sum3A_295 = tpu.scan <sum>, %add3A_273 masked %reduce_sum3A_294 : vector<16xf32>, vector<16xi1> -> vector<16xf32>
      %reduce_sum3A_296 = vector.extract %reduce_sum3A_295[15] : f32 from vector<16xf32>
      %mul3A_297 = arith.constant 1.562500e-02 : f32
      %mul3A_298 = arith.mulf %reduce_sum3A_296, %mul3A_297 : f32
      %mul3A_299 = arith.mulf %mul3A_284, %mul3A_284 : f32
      %sub3A_300 = arith.subf %mul3A_298, %mul3A_299 : f32
      %add3A_301 = arith.constant 9.99999974E-6 : f32
      %add3A_302 = arith.addf %sub3A_292, %add3A_301 : f32
      %broadcast_in_dim3A_303 = vector.broadcast %add3A_302 : f32 to vector<16xf32>
      %bitcast_convert_type3A = tpu.bitcast %broadcast_in_dim3A_303 : vector<16xf32> -> vector<16xi32>
      %shift_right_logical3A = arith.constant 1 : i32
      %shift_right_logical3A_304 = vector.broadcast %shift_right_logical3A : i32 to vector<16xi32>
      %shift_right_logical3A_305 = arith.shrui %bitcast_convert_type3A, %shift_right_logical3A_304 : vector<16xi32>
      %sub3A_306 = arith.constant 1597463007 : i32
      %sub3A_307 = vector.broadcast %sub3A_306 : i32 to vector<16xi32>
      %sub3A_308 = arith.subi %sub3A_307, %shift_right_logical3A_305 : vector<16xi32>
      %bitcast_convert_type3A_309 = tpu.bitcast %sub3A_308 : vector<16xi32> -> vector<16xf32>
      %mul3A_310 = arith.constant 5.000000e-01 : f32
      %mul3A_311 = vector.broadcast %mul3A_310 : f32 to vector<16xf32>
      %mul3A_312 = arith.mulf %mul3A_311, %broadcast_in_dim3A_303 : vector<16xf32>
      %mul3A_313 = arith.mulf %mul3A_312, %bitcast_convert_type3A_309 : vector<16xf32>
      %mul3A_314 = arith.mulf %mul3A_313, %bitcast_convert_type3A_309 : vector<16xf32>
      %sub3A_315 = arith.constant 1.500000e+00 : f32
      %sub3A_316 = vector.broadcast %sub3A_315 : f32 to vector<16xf32>
      %sub3A_317 = arith.subf %sub3A_316, %mul3A_314 : vector<16xf32>
      %mul3A_318 = arith.mulf %bitcast_convert_type3A_309, %sub3A_317 : vector<16xf32>
      %mul3A_319 = arith.constant 5.000000e-01 : f32
      %mul3A_320 = vector.broadcast %mul3A_319 : f32 to vector<16xf32>
      %mul3A_321 = arith.mulf %mul3A_320, %broadcast_in_dim3A_303 : vector<16xf32>
      %mul3A_322 = arith.mulf %mul3A_321, %mul3A_318 : vector<16xf32>
      %mul3A_323 = arith.mulf %mul3A_322, %mul3A_318 : vector<16xf32>
      %sub3A_324 = arith.constant 1.500000e+00 : f32
      %sub3A_325 = vector.broadcast %sub3A_324 : f32 to vector<16xf32>
      %sub3A_326 = arith.subf %sub3A_325, %mul3A_323 : vector<16xf32>
      %mul3A_327 = arith.mulf %mul3A_318, %sub3A_326 : vector<16xf32>
      %mul3A_328 = arith.constant 5.000000e-01 : f32
      %mul3A_329 = vector.broadcast %mul3A_328 : f32 to vector<16xf32>
      %mul3A_330 = arith.mulf %mul3A_329, %broadcast_in_dim3A_303 : vector<16xf32>
      %mul3A_331 = arith.mulf %mul3A_330, %mul3A_327 : vector<16xf32>
      %mul3A_332 = arith.mulf %mul3A_331, %mul3A_327 : vector<16xf32>
      %sub3A_333 = arith.constant 1.500000e+00 : f32
      %sub3A_334 = vector.broadcast %sub3A_333 : f32 to vector<16xf32>
      %sub3A_335 = arith.subf %sub3A_334, %mul3A_332 : vector<16xf32>
      %mul3A_336 = arith.mulf %mul3A_327, %sub3A_335 : vector<16xf32>
      %mul3A_337 = arith.constant 5.000000e-01 : f32
      %mul3A_338 = vector.broadcast %mul3A_337 : f32 to vector<16xf32>
      %mul3A_339 = arith.mulf %mul3A_338, %broadcast_in_dim3A_303 : vector<16xf32>
      %mul3A_340 = arith.mulf %mul3A_339, %mul3A_336 : vector<16xf32>
      %mul3A_341 = arith.mulf %mul3A_340, %mul3A_336 : vector<16xf32>
      %sub3A_342 = arith.constant 1.500000e+00 : f32
      %sub3A_343 = vector.broadcast %sub3A_342 : f32 to vector<16xf32>
      %sub3A_344 = arith.subf %sub3A_343, %mul3A_341 : vector<16xf32>
      %mul3A_345 = arith.mulf %mul3A_336, %sub3A_344 : vector<16xf32>
      %add3A_346 = arith.constant 9.99999974E-6 : f32
      %add3A_347 = arith.addf %sub3A_300, %add3A_346 : f32
      %broadcast_in_dim3A_348 = vector.broadcast %add3A_347 : f32 to vector<16xf32>
      %bitcast_convert_type3A_349 = tpu.bitcast %broadcast_in_dim3A_348 : vector<16xf32> -> vector<16xi32>
      %shift_right_logical3A_350 = arith.constant 1 : i32
      %shift_right_logical3A_351 = vector.broadcast %shift_right_logical3A_350 : i32 to vector<16xi32>
      %shift_right_logical3A_352 = arith.shrui %bitcast_convert_type3A_349, %shift_right_logical3A_351 : vector<16xi32>
      %sub3A_353 = arith.constant 1597463007 : i32
      %sub3A_354 = vector.broadcast %sub3A_353 : i32 to vector<16xi32>
      %sub3A_355 = arith.subi %sub3A_354, %shift_right_logical3A_352 : vector<16xi32>
      %bitcast_convert_type3A_356 = tpu.bitcast %sub3A_355 : vector<16xi32> -> vector<16xf32>
      %mul3A_357 = arith.constant 5.000000e-01 : f32
      %mul3A_358 = vector.broadcast %mul3A_357 : f32 to vector<16xf32>
      %mul3A_359 = arith.mulf %mul3A_358, %broadcast_in_dim3A_348 : vector<16xf32>
      %mul3A_360 = arith.mulf %mul3A_359, %bitcast_convert_type3A_356 : vector<16xf32>
      %mul3A_361 = arith.mulf %mul3A_360, %bitcast_convert_type3A_356 : vector<16xf32>
      %sub3A_362 = arith.constant 1.500000e+00 : f32
      %sub3A_363 = vector.broadcast %sub3A_362 : f32 to vector<16xf32>
      %sub3A_364 = arith.subf %sub3A_363, %mul3A_361 : vector<16xf32>
      %mul3A_365 = arith.mulf %bitcast_convert_type3A_356, %sub3A_364 : vector<16xf32>
      %mul3A_366 = arith.constant 5.000000e-01 : f32
      %mul3A_367 = vector.broadcast %mul3A_366 : f32 to vector<16xf32>
      %mul3A_368 = arith.mulf %mul3A_367, %broadcast_in_dim3A_348 : vector<16xf32>
      %mul3A_369 = arith.mulf %mul3A_368, %mul3A_365 : vector<16xf32>
      %mul3A_370 = arith.mulf %mul3A_369, %mul3A_365 : vector<16xf32>
      %sub3A_371 = arith.constant 1.500000e+00 : f32
      %sub3A_372 = vector.broadcast %sub3A_371 : f32 to vector<16xf32>
      %sub3A_373 = arith.subf %sub3A_372, %mul3A_370 : vector<16xf32>
      %mul3A_374 = arith.mulf %mul3A_365, %sub3A_373 : vector<16xf32>
      %mul3A_375 = arith.constant 5.000000e-01 : f32
      %mul3A_376 = vector.broadcast %mul3A_375 : f32 to vector<16xf32>
      %mul3A_377 = arith.mulf %mul3A_376, %broadcast_in_dim3A_348 : vector<16xf32>
      %mul3A_378 = arith.mulf %mul3A_377, %mul3A_374 : vector<16xf32>
      %mul3A_379 = arith.mulf %mul3A_378, %mul3A_374 : vector<16xf32>
      %sub3A_380 = arith.constant 1.500000e+00 : f32
      %sub3A_381 = vector.broadcast %sub3A_380 : f32 to vector<16xf32>
      %sub3A_382 = arith.subf %sub3A_381, %mul3A_379 : vector<16xf32>
      %mul3A_383 = arith.mulf %mul3A_374, %sub3A_382 : vector<16xf32>
      %mul3A_384 = arith.constant 5.000000e-01 : f32
      %mul3A_385 = vector.broadcast %mul3A_384 : f32 to vector<16xf32>
      %mul3A_386 = arith.mulf %mul3A_385, %broadcast_in_dim3A_348 : vector<16xf32>
      %mul3A_387 = arith.mulf %mul3A_386, %mul3A_383 : vector<16xf32>
      %mul3A_388 = arith.mulf %mul3A_387, %mul3A_383 : vector<16xf32>
      %sub3A_389 = arith.constant 1.500000e+00 : f32
      %sub3A_390 = vector.broadcast %sub3A_389 : f32 to vector<16xf32>
      %sub3A_391 = arith.subf %sub3A_390, %mul3A_388 : vector<16xf32>
      %mul3A_392 = arith.mulf %mul3A_383, %sub3A_391 : vector<16xf32>
      %get3A_393 = arith.constant 0 : index
      %get3A_394 = tpu.vector_load %arg10[%get3A_393] {strides = array<i32>} : memref<448xf32, #tpu.memory_space<vmem>>, vector<16xf32>,
      %mul3A_395 = arith.mulf %get3A_394, %gather3A : vector<16xf32>
      %get3A_396 = arith.constant 128 : index
      %get3A_397 = tpu.vector_load %arg10[%get3A_396] {strides = array<i32>} : memref<448xf32, #tpu.memory_space<vmem>>, vector<16xf32>,
      %mul3A_398 = arith.mulf %get3A_397, %sub3A_193 : vector<16xf32>
      %add3A_399 = arith.addf %mul3A_395, %mul3A_398 : vector<16xf32>
      %mul3A_400 = arith.mulf %add3A_399, %mul3A_345 : vector<16xf32>
      %get3A_401 = arith.constant 64 : index
      %get3A_402 = tpu.vector_load %arg10[%get3A_401] {strides = array<i32>} : memref<448xf32, #tpu.memory_space<vmem>>, vector<16xf32>,
      %mul3A_403 = arith.mulf %get3A_402, %gather3A : vector<16xf32>
      %get3A_404 = arith.constant 192 : index
      %get3A_405 = tpu.vector_load %arg10[%get3A_404] {strides = array<i32>} : memref<448xf32, #tpu.memory_space<vmem>>, vector<16xf32>,
      %mul3A_406 = arith.mulf %get3A_405, %sub3A_193 : vector<16xf32>
      %add3A_407 = arith.addf %mul3A_403, %mul3A_406 : vector<16xf32>
      %sub3A_408 = vector.broadcast %mul3A_278 : f32 to vector<16xf32>
      %sub3A_409 = arith.subf %add3A_202, %sub3A_408 : vector<16xf32>
      %mul3A_410 = arith.mulf %sub3A_409, %mul3A_400 : vector<16xf32>
      %add3A_411 = arith.addf %mul3A_410, %add3A_407 : vector<16xf32>
      %sub3A_412 = vector.broadcast %mul3A_284 : f32 to vector<16xf32>
      %sub3A_413 = arith.subf %add3A_208, %sub3A_412 : vector<16xf32>
      %mul3A_414 = arith.mulf %sub3A_413, %mul3A_392 : vector<16xf32>
      %get3A_415 = arith.constant 256 : index
      %get3A_416 = tpu.vector_load %arg10[%get3A_415] {strides = array<i32>} : memref<448xf32, #tpu.memory_space<vmem>>, vector<16xf32>,
      %mul3A_417 = arith.mulf %mul3A_414, %get3A_416 : vector<16xf32>
      %add3A_418 = arith.addf %add3A_411, %mul3A_417 : vector<16xf32>
      %get3A_419 = arith.constant 320 : index
      %get3A_420 = tpu.vector_load %arg10[%get3A_419] {strides = array<i32>} : memref<448xf32, #tpu.memory_space<vmem>>, vector<16xf32>,
      %add3A_421 = arith.addf %add3A_418, %get3A_420 : vector<16xf32>
      %swap3A_422 = arith.index_cast %mul3A_189 : i32 to index
      %swap3A_423 = arith.constant 0 : index
      %swap3A_424 = tpu.vector_load %arg16[%swap3A_422, %swap3A_423] {strides = array<i32>} : memref<50x64xf32, #tpu.memory_space<vmem>>, vector<16xf32>,
      tpu.vector_store %arg16[%swap3A_422, %swap3A_423], %add3A_421 {strides = array<i32>} : memref<50x64xf32, #tpu.memory_space<vmem>>, vector<16xf32>,
      %get3A_425 = arith.constant 16 : index
      %get3A_426 = tpu.vector_load %arg10[%get3A_425] {strides = array<i32>} : memref<448xf32, #tpu.memory_space<vmem>>, vector<16xf32>,
      %mul3A_427 = arith.mulf %get3A_426, %gather3A : vector<16xf32>
      %get3A_428 = arith.constant 144 : index
      %get3A_429 = tpu.vector_load %arg10[%get3A_428] {strides = array<i32>} : memref<448xf32, #tpu.memory_space<vmem>>, vector<16xf32>,
      %mul3A_430 = arith.mulf %get3A_429, %sub3A_193 : vector<16xf32>
      %add3A_431 = arith.addf %mul3A_427, %mul3A_430 : vector<16xf32>
      %mul3A_432 = arith.mulf %add3A_431, %mul3A_345 : vector<16xf32>
      %get3A_433 = arith.constant 80 : index
      %get3A_434 = tpu.vector_load %arg10[%get3A_433] {strides = array<i32>} : memref<448xf32, #tpu.memory_space<vmem>>, vector<16xf32>,
      %mul3A_435 = arith.mulf %get3A_434, %gather3A : vector<16xf32>
      %get3A_436 = arith.constant 208 : index
      %get3A_437 = tpu.vector_load %arg10[%get3A_436] {strides = array<i32>} : memref<448xf32, #tpu.memory_space<vmem>>, vector<16xf32>,
      %mul3A_438 = arith.mulf %get3A_437, %sub3A_193 : vector<16xf32>
      %add3A_439 = arith.addf %mul3A_435, %mul3A_438 : vector<16xf32>
      %sub3A_440 = vector.broadcast %mul3A_278 : f32 to vector<16xf32>
      %sub3A_441 = arith.subf %add3A_217, %sub3A_440 : vector<16xf32>
      %mul3A_442 = arith.mulf %sub3A_441, %mul3A_432 : vector<16xf32>
      %add3A_443 = arith.addf %mul3A_442, %add3A_439 : vector<16xf32>
      %sub3A_444 = vector.broadcast %mul3A_284 : f32 to vector<16xf32>
      %sub3A_445 = arith.subf %add3A_223, %sub3A_444 : vector<16xf32>
      %mul3A_446 = arith.mulf %sub3A_445, %mul3A_392 : vector<16xf32>
      %get3A_447 = arith.constant 272 : index
      %get3A_448 = tpu.vector_load %arg10[%get3A_447] {strides = array<i32>} : memref<448xf32, #tpu.memory_space<vmem>>, vector<16xf32>,
      %mul3A_449 = arith.mulf %mul3A_446, %get3A_448 : vector<16xf32>
      %add3A_450 = arith.addf %add3A_443, %mul3A_449 : vector<16xf32>
      %get3A_451 = arith.constant 336 : index
      %get3A_452 = tpu.vector_load %arg10[%get3A_451] {strides = array<i32>} : memref<448xf32, #tpu.memory_space<vmem>>, vector<16xf32>,
      %add3A_453 = arith.addf %add3A_450, %get3A_452 : vector<16xf32>
      %swap3A_454 = arith.index_cast %mul3A_189 : i32 to index
      %swap3A_455 = arith.constant 16 : index
      %swap3A_456 = tpu.vector_load %arg16[%swap3A_454, %swap3A_455] {strides = array<i32>} : memref<50x64xf32, #tpu.memory_space<vmem>>, vector<16xf32>,
      tpu.vector_store %arg16[%swap3A_454, %swap3A_455], %add3A_453 {strides = array<i32>} : memref<50x64xf32, #tpu.memory_space<vmem>>, vector<16xf32>,
      %get3A_457 = arith.constant 32 : index
      %get3A_458 = tpu.vector_load %arg10[%get3A_457] {strides = array<i32>} : memref<448xf32, #tpu.memory_space<vmem>>, vector<16xf32>,
      %mul3A_459 = arith.mulf %get3A_458, %gather3A : vector<16xf32>
      %get3A_460 = arith.constant 160 : index
      %get3A_461 = tpu.vector_load %arg10[%get3A_460] {strides = array<i32>} : memref<448xf32, #tpu.memory_space<vmem>>, vector<16xf32>,
      %mul3A_462 = arith.mulf %get3A_461, %sub3A_193 : vector<16xf32>
      %add3A_463 = arith.addf %mul3A_459, %mul3A_462 : vector<16xf32>
      %mul3A_464 = arith.mulf %add3A_463, %mul3A_345 : vector<16xf32>
      %get3A_465 = arith.constant 96 : index
      %get3A_466 = tpu.vector_load %arg10[%get3A_465] {strides = array<i32>} : memref<448xf32, #tpu.memory_space<vmem>>, vector<16xf32>,
      %mul3A_467 = arith.mulf %get3A_466, %gather3A : vector<16xf32>
      %get3A_468 = arith.constant 224 : index
      %get3A_469 = tpu.vector_load %arg10[%get3A_468] {strides = array<i32>} : memref<448xf32, #tpu.memory_space<vmem>>, vector<16xf32>,
      %mul3A_470 = arith.mulf %get3A_469, %sub3A_193 : vector<16xf32>
      %add3A_471 = arith.addf %mul3A_467, %mul3A_470 : vector<16xf32>
      %sub3A_472 = vector.broadcast %mul3A_278 : f32 to vector<16xf32>
      %sub3A_473 = arith.subf %add3A_232, %sub3A_472 : vector<16xf32>
      %mul3A_474 = arith.mulf %sub3A_473, %mul3A_464 : vector<16xf32>
      %add3A_475 = arith.addf %mul3A_474, %add3A_471 : vector<16xf32>
      %sub3A_476 = vector.broadcast %mul3A_284 : f32 to vector<16xf32>
      %sub3A_477 = arith.subf %add3A_238, %sub3A_476 : vector<16xf32>
      %mul3A_478 = arith.mulf %sub3A_477, %mul3A_392 : vector<16xf32>
      %get3A_479 = arith.constant 288 : index
      %get3A_480 = tpu.vector_load %arg10[%get3A_479] {strides = array<i32>} : memref<448xf32, #tpu.memory_space<vmem>>, vector<16xf32>,
      %mul3A_481 = arith.mulf %mul3A_478, %get3A_480 : vector<16xf32>
      %add3A_482 = arith.addf %add3A_475, %mul3A_481 : vector<16xf32>
      %get3A_483 = arith.constant 352 : index
      %get3A_484 = tpu.vector_load %arg10[%get3A_483] {strides = array<i32>} : memref<448xf32, #tpu.memory_space<vmem>>, vector<16xf32>,
      %add3A_485 = arith.addf %add3A_482, %get3A_484 : vector<16xf32>
      %swap3A_486 = arith.index_cast %mul3A_189 : i32 to index
      %swap3A_487 = arith.constant 32 : index
      %swap3A_488 = tpu.vector_load %arg16[%swap3A_486, %swap3A_487] {strides = array<i32>} : memref<50x64xf32, #tpu.memory_space<vmem>>, vector<16xf32>,
      tpu.vector_store %arg16[%swap3A_486, %swap3A_487], %add3A_485 {strides = array<i32>} : memref<50x64xf32, #tpu.memory_space<vmem>>, vector<16xf32>,
      %get3A_489 = arith.constant 48 : index
      %get3A_490 = tpu.vector_load %arg10[%get3A_489] {strides = array<i32>} : memref<448xf32, #tpu.memory_space<vmem>>, vector<16xf32>,
      %mul3A_491 = arith.mulf %get3A_490, %gather3A : vector<16xf32>
      %get3A_492 = arith.constant 176 : index
      %get3A_493 = tpu.vector_load %arg10[%get3A_492] {strides = array<i32>} : memref<448xf32, #tpu.memory_space<vmem>>, vector<16xf32>,
      %mul3A_494 = arith.mulf %get3A_493, %sub3A_193 : vector<16xf32>
      %add3A_495 = arith.addf %mul3A_491, %mul3A_494 : vector<16xf32>
      %mul3A_496 = arith.mulf %add3A_495, %mul3A_345 : vector<16xf32>
      %get3A_497 = arith.constant 112 : index
      %get3A_498 = tpu.vector_load %arg10[%get3A_497] {strides = array<i32>} : memref<448xf32, #tpu.memory_space<vmem>>, vector<16xf32>,
      %mul3A_499 = arith.mulf %get3A_498, %gather3A : vector<16xf32>
      %get3A_500 = arith.constant 240 : index
      %get3A_501 = tpu.vector_load %arg10[%get3A_500] {strides = array<i32>} : memref<448xf32, #tpu.memory_space<vmem>>, vector<16xf32>,
      %mul3A_502 = arith.mulf %get3A_501, %sub3A_193 : vector<16xf32>
      %add3A_503 = arith.addf %mul3A_499, %mul3A_502 : vector<16xf32>
      %sub3A_504 = vector.broadcast %mul3A_278 : f32 to vector<16xf32>
      %sub3A_505 = arith.subf %add3A_247, %sub3A_504 : vector<16xf32>
      %mul3A_506 = arith.mulf %sub3A_505, %mul3A_496 : vector<16xf32>
      %add3A_507 = arith.addf %mul3A_506, %add3A_503 : vector<16xf32>
      %sub3A_508 = vector.broadcast %mul3A_284 : f32 to vector<16xf32>
      %sub3A_509 = arith.subf %add3A_253, %sub3A_508 : vector<16xf32>
      %mul3A_510 = arith.mulf %sub3A_509, %mul3A_392 : vector<16xf32>
      %get3A_511 = arith.constant 304 : index
      %get3A_512 = tpu.vector_load %arg10[%get3A_511] {strides = array<i32>} : memref<448xf32, #tpu.memory_space<vmem>>, vector<16xf32>,
      %mul3A_513 = arith.mulf %mul3A_510, %get3A_512 : vector<16xf32>
      %add3A_514 = arith.addf %add3A_507, %mul3A_513 : vector<16xf32>
      %get3A_515 = arith.constant 368 : index
      %get3A_516 = tpu.vector_load %arg10[%get3A_515] {strides = array<i32>} : memref<448xf32, #tpu.memory_space<vmem>>, vector<16xf32>,
      %add3A_517 = arith.addf %add3A_514, %get3A_516 : vector<16xf32>
      %swap3A_518 = arith.index_cast %mul3A_189 : i32 to index
      %swap3A_519 = arith.constant 48 : index
      %swap3A_520 = tpu.vector_load %arg16[%swap3A_518, %swap3A_519] {strides = array<i32>} : memref<50x64xf32, #tpu.memory_space<vmem>>, vector<16xf32>,
      tpu.vector_store %arg16[%swap3A_518, %swap3A_519], %add3A_517 {strides = array<i32>} : memref<50x64xf32, #tpu.memory_space<vmem>>, vector<16xf32>,
      %mul3A_521 = arith.constant 2 : i32
      %mul3A_522 = arith.muli %mul3A_521, %scan3A_187 : i32
      %add3A_523 = arith.constant 1 : i32
      %add3A_524 = arith.addi %mul3A_522, %add3A_523 : i32
      %broadcast_in_dim3A_525 = vector.broadcast %add3A_524 : i32 to vector<16xi32>
      %gather3A_526 = tpu.vector_load_idx %arg17[%broadcast_in_dim3A_525] : memref<64xf32, #tpu.memory_space<vmem>>[vector<16xi32>], vector<16xf32>,
      %sub3A_527 = arith.constant 1.000000e+00 : f32
      %sub3A_528 = vector.broadcast %sub3A_527 : f32 to vector<16xf32>
      %sub3A_529 = arith.subf %sub3A_528, %gather3A_526 : vector<16xf32>
      %get3A_530 = arith.index_cast %add3A_524 : i32 to index
      %get3A_531 = arith.constant 0 : index
      %get3A_532 = tpu.vector_load %arg13[%get3A_530, %get3A_531] {strides = array<i32>} : memref<64x64xf32, #tpu.memory_space<vmem>>, vector<16xf32>,
      %mul3A_533 = arith.mulf %get3A_532, %gather3A_526 : vector<16xf32>
      %get3A_534 = arith.index_cast %add3A_524 : i32 to index
      %get3A_535 = arith.constant 0 : index
      %get3A_536 = tpu.vector_load %arg14[%get3A_534, %get3A_535] {strides = array<i32>} : memref<64x64xf32, #tpu.memory_space<vmem>>, vector<16xf32>,
      %mul3A_537 = arith.mulf %get3A_536, %sub3A_529 : vector<16xf32>
      %add3A_538 = arith.addf %mul3A_533, %mul3A_537 : vector<16xf32>
      %get3A_539 = arith.index_cast %add3A_524 : i32 to index
      %get3A_540 = arith.constant 0 : index
      %get3A_541 = tpu.vector_load %arg15[%get3A_539, %get3A_540] {strides = array<i32>} : memref<50x64xf32, #tpu.memory_space<vmem>>, vector<16xf32>,
      %get3A_542 = arith.constant 384 : index
      %get3A_543 = tpu.vector_load %arg10[%get3A_542] {strides = array<i32>} : memref<448xf32, #tpu.memory_space<vmem>>, vector<16xf32>,
      %add3A_544 = arith.addf %get3A_541, %get3A_543 : vector<16xf32>
      %get3A_545 = arith.index_cast %add3A_524 : i32 to index
      %get3A_546 = arith.constant 16 : index
      %get3A_547 = tpu.vector_load %arg13[%get3A_545, %get3A_546] {strides = array<i32>} : memref<64x64xf32, #tpu.memory_space<vmem>>, vector<16xf32>,
      %mul3A_548 = arith.mulf %get3A_547, %gather3A_526 : vector<16xf32>
      %get3A_549 = arith.index_cast %add3A_524 : i32 to index
      %get3A_550 = arith.constant 16 : index
      %get3A_551 = tpu.vector_load %arg14[%get3A_549, %get3A_550] {strides = array<i32>} : memref<64x64xf32, #tpu.memory_space<vmem>>, vector<16xf32>,
      %mul3A_552 = arith.mulf %get3A_551, %sub3A_529 : vector<16xf32>
      %add3A_553 = arith.addf %mul3A_548, %mul3A_552 : vector<16xf32>
      %get3A_554 = arith.index_cast %add3A_524 : i32 to index
      %get3A_555 = arith.constant 16 : index
      %get3A_556 = tpu.vector_load %arg15[%get3A_554, %get3A_555] {strides = array<i32>} : memref<50x64xf32, #tpu.memory_space<vmem>>, vector<16xf32>,
      %get3A_557 = arith.constant 400 : index
      %get3A_558 = tpu.vector_load %arg10[%get3A_557] {strides = array<i32>} : memref<448xf32, #tpu.memory_space<vmem>>, vector<16xf32>,
      %add3A_559 = arith.addf %get3A_556, %get3A_558 : vector<16xf32>
      %get3A_560 = arith.index_cast %add3A_524 : i32 to index
      %get3A_561 = arith.constant 32 : index
      %get3A_562 = tpu.vector_load %arg13[%get3A_560, %get3A_561] {strides = array<i32>} : memref<64x64xf32, #tpu.memory_space<vmem>>, vector<16xf32>,
      %mul3A_563 = arith.mulf %get3A_562, %gather3A_526 : vector<16xf32>
      %get3A_564 = arith.index_cast %add3A_524 : i32 to index
      %get3A_565 = arith.constant 32 : index
      %get3A_566 = tpu.vector_load %arg14[%get3A_564, %get3A_565] {strides = array<i32>} : memref<64x64xf32, #tpu.memory_space<vmem>>, vector<16xf32>,
      %mul3A_567 = arith.mulf %get3A_566, %sub3A_529 : vector<16xf32>
      %add3A_568 = arith.addf %mul3A_563, %mul3A_567 : vector<16xf32>
      %get3A_569 = arith.index_cast %add3A_524 : i32 to index
      %get3A_570 = arith.constant 32 : index
      %get3A_571 = tpu.vector_load %arg15[%get3A_569, %get3A_570] {strides = array<i32>} : memref<50x64xf32, #tpu.memory_space<vmem>>, vector<16xf32>,
      %get3A_572 = arith.constant 416 : index
      %get3A_573 = tpu.vector_load %arg10[%get3A_572] {strides = array<i32>} : memref<448xf32, #tpu.memory_space<vmem>>, vector<16xf32>,
      %add3A_574 = arith.addf %get3A_571, %get3A_573 : vector<16xf32>
      %get3A_575 = arith.index_cast %add3A_524 : i32 to index
      %get3A_576 = arith.constant 48 : index
      %get3A_577 = tpu.vector_load %arg13[%get3A_575, %get3A_576] {strides = array<i32>} : memref<64x64xf32, #tpu.memory_space<vmem>>, vector<16xf32>,
      %mul3A_578 = arith.mulf %get3A_577, %gather3A_526 : vector<16xf32>
      %get3A_579 = arith.index_cast %add3A_524 : i32 to index
      %get3A_580 = arith.constant 48 : index
      %get3A_581 = tpu.vector_load %arg14[%get3A_579, %get3A_580] {strides = array<i32>} : memref<64x64xf32, #tpu.memory_space<vmem>>, vector<16xf32>,
      %mul3A_582 = arith.mulf %get3A_581, %sub3A_529 : vector<16xf32>
      %add3A_583 = arith.addf %mul3A_578, %mul3A_582 : vector<16xf32>
      %get3A_584 = arith.index_cast %add3A_524 : i32 to index
      %get3A_585 = arith.constant 48 : index
      %get3A_586 = tpu.vector_load %arg15[%get3A_584, %get3A_585] {strides = array<i32>} : memref<50x64xf32, #tpu.memory_space<vmem>>, vector<16xf32>,
      %get3A_587 = arith.constant 432 : index
      %get3A_588 = tpu.vector_load %arg10[%get3A_587] {strides = array<i32>} : memref<448xf32, #tpu.memory_space<vmem>>, vector<16xf32>,
      %add3A_589 = arith.addf %get3A_586, %get3A_588 : vector<16xf32>
      %add3A_590 = arith.addf %add3A_538, %add3A_553 : vector<16xf32>
      %add3A_591 = arith.addf %add3A_568, %add3A_583 : vector<16xf32>
      %add3A_592 = arith.addf %add3A_590, %add3A_591 : vector<16xf32>
      %mul3A_593 = arith.mulf %add3A_538, %add3A_538 : vector<16xf32>
      %mul3A_594 = arith.mulf %add3A_553, %add3A_553 : vector<16xf32>
      %add3A_595 = arith.addf %mul3A_593, %mul3A_594 : vector<16xf32>
      %mul3A_596 = arith.mulf %add3A_568, %add3A_568 : vector<16xf32>
      %mul3A_597 = arith.mulf %add3A_583, %add3A_583 : vector<16xf32>
      %add3A_598 = arith.addf %mul3A_596, %mul3A_597 : vector<16xf32>
      %add3A_599 = arith.addf %add3A_595, %add3A_598 : vector<16xf32>
      %add3A_600 = arith.addf %add3A_544, %add3A_559 : vector<16xf32>
      %add3A_601 = arith.addf %add3A_574, %add3A_589 : vector<16xf32>
      %add3A_602 = arith.addf %add3A_600, %add3A_601 : vector<16xf32>
      %mul3A_603 = arith.mulf %add3A_544, %add3A_544 : vector<16xf32>
      %mul3A_604 = arith.mulf %add3A_559, %add3A_559 : vector<16xf32>
      %add3A_605 = arith.addf %mul3A_603, %mul3A_604 : vector<16xf32>
      %mul3A_606 = arith.mulf %add3A_574, %add3A_574 : vector<16xf32>
      %mul3A_607 = arith.mulf %add3A_589, %add3A_589 : vector<16xf32>
      %add3A_608 = arith.addf %mul3A_606, %mul3A_607 : vector<16xf32>
      %add3A_609 = arith.addf %add3A_605, %add3A_608 : vector<16xf32>
      %reduce_sum3A_610 = arith.constant true
      %reduce_sum3A_611 = vector.broadcast %reduce_sum3A_610 : i1 to vector<16xi1>
      %reduce_sum3A_612 = tpu.scan <sum>, %add3A_592 masked %reduce_sum3A_611 : vector<16xf32>, vector<16xi1> -> vector<16xf32>
      %reduce_sum3A_613 = vector.extract %reduce_sum3A_612[15] : f32 from vector<16xf32>
      %mul3A_614 = arith.constant 1.562500e-02 : f32
      %mul3A_615 = arith.mulf %reduce_sum3A_613, %mul3A_614 : f32
      %reduce_sum3A_616 = arith.constant true
      %reduce_sum3A_617 = vector.broadcast %reduce_sum3A_616 : i1 to vector<16xi1>
      %reduce_sum3A_618 = tpu.scan <sum>, %add3A_602 masked %reduce_sum3A_617 : vector<16xf32>, vector<16xi1> -> vector<16xf32>
      %reduce_sum3A_619 = vector.extract %reduce_sum3A_618[15] : f32 from vector<16xf32>
      %mul3A_620 = arith.constant 1.562500e-02 : f32
      %mul3A_621 = arith.mulf %reduce_sum3A_619, %mul3A_620 : f32
      %reduce_sum3A_622 = arith.constant true
      %reduce_sum3A_623 = vector.broadcast %reduce_sum3A_622 : i1 to vector<16xi1>
      %reduce_sum3A_624 = tpu.scan <sum>, %add3A_599 masked %reduce_sum3A_623 : vector<16xf32>, vector<16xi1> -> vector<16xf32>
      %reduce_sum3A_625 = vector.extract %reduce_sum3A_624[15] : f32 from vector<16xf32>
      %mul3A_626 = arith.constant 1.562500e-02 : f32
      %mul3A_627 = arith.mulf %reduce_sum3A_625, %mul3A_626 : f32
      %mul3A_628 = arith.mulf %mul3A_615, %mul3A_615 : f32
      %sub3A_629 = arith.subf %mul3A_627, %mul3A_628 : f32
      %reduce_sum3A_630 = arith.constant true
      %reduce_sum3A_631 = vector.broadcast %reduce_sum3A_630 : i1 to vector<16xi1>
      %reduce_sum3A_632 = tpu.scan <sum>, %add3A_609 masked %reduce_sum3A_631 : vector<16xf32>, vector<16xi1> -> vector<16xf32>
      %reduce_sum3A_633 = vector.extract %reduce_sum3A_632[15] : f32 from vector<16xf32>
      %mul3A_634 = arith.constant 1.562500e-02 : f32
      %mul3A_635 = arith.mulf %reduce_sum3A_633, %mul3A_634 : f32
      %mul3A_636 = arith.mulf %mul3A_621, %mul3A_621 : f32
      %sub3A_637 = arith.subf %mul3A_635, %mul3A_636 : f32
      %add3A_638 = arith.constant 9.99999974E-6 : f32
      %add3A_639 = arith.addf %sub3A_629, %add3A_638 : f32
      %broadcast_in_dim3A_640 = vector.broadcast %add3A_639 : f32 to vector<16xf32>
      %bitcast_convert_type3A_641 = tpu.bitcast %broadcast_in_dim3A_640 : vector<16xf32> -> vector<16xi32>
      %shift_right_logical3A_642 = arith.constant 1 : i32
      %shift_right_logical3A_643 = vector.broadcast %shift_right_logical3A_642 : i32 to vector<16xi32>
      %shift_right_logical3A_644 = arith.shrui %bitcast_convert_type3A_641, %shift_right_logical3A_643 : vector<16xi32>
      %sub3A_645 = arith.constant 1597463007 : i32
      %sub3A_646 = vector.broadcast %sub3A_645 : i32 to vector<16xi32>
      %sub3A_647 = arith.subi %sub3A_646, %shift_right_logical3A_644 : vector<16xi32>
      %bitcast_convert_type3A_648 = tpu.bitcast %sub3A_647 : vector<16xi32> -> vector<16xf32>
      %mul3A_649 = arith.constant 5.000000e-01 : f32
      %mul3A_650 = vector.broadcast %mul3A_649 : f32 to vector<16xf32>
      %mul3A_651 = arith.mulf %mul3A_650, %broadcast_in_dim3A_640 : vector<16xf32>
      %mul3A_652 = arith.mulf %mul3A_651, %bitcast_convert_type3A_648 : vector<16xf32>
      %mul3A_653 = arith.mulf %mul3A_652, %bitcast_convert_type3A_648 : vector<16xf32>
      %sub3A_654 = arith.constant 1.500000e+00 : f32
      %sub3A_655 = vector.broadcast %sub3A_654 : f32 to vector<16xf32>
      %sub3A_656 = arith.subf %sub3A_655, %mul3A_653 : vector<16xf32>
      %mul3A_657 = arith.mulf %bitcast_convert_type3A_648, %sub3A_656 : vector<16xf32>
      %mul3A_658 = arith.constant 5.000000e-01 : f32
      %mul3A_659 = vector.broadcast %mul3A_658 : f32 to vector<16xf32>
      %mul3A_660 = arith.mulf %mul3A_659, %broadcast_in_dim3A_640 : vector<16xf32>
      %mul3A_661 = arith.mulf %mul3A_660, %mul3A_657 : vector<16xf32>
      %mul3A_662 = arith.mulf %mul3A_661, %mul3A_657 : vector<16xf32>
      %sub3A_663 = arith.constant 1.500000e+00 : f32
      %sub3A_664 = vector.broadcast %sub3A_663 : f32 to vector<16xf32>
      %sub3A_665 = arith.subf %sub3A_664, %mul3A_662 : vector<16xf32>
      %mul3A_666 = arith.mulf %mul3A_657, %sub3A_665 : vector<16xf32>
      %mul3A_667 = arith.constant 5.000000e-01 : f32
      %mul3A_668 = vector.broadcast %mul3A_667 : f32 to vector<16xf32>
      %mul3A_669 = arith.mulf %mul3A_668, %broadcast_in_dim3A_640 : vector<16xf32>
      %mul3A_670 = arith.mulf %mul3A_669, %mul3A_666 : vector<16xf32>
      %mul3A_671 = arith.mulf %mul3A_670, %mul3A_666 : vector<16xf32>
      %sub3A_672 = arith.constant 1.500000e+00 : f32
      %sub3A_673 = vector.broadcast %sub3A_672 : f32 to vector<16xf32>
      %sub3A_674 = arith.subf %sub3A_673, %mul3A_671 : vector<16xf32>
      %mul3A_675 = arith.mulf %mul3A_666, %sub3A_674 : vector<16xf32>
      %mul3A_676 = arith.constant 5.000000e-01 : f32
      %mul3A_677 = vector.broadcast %mul3A_676 : f32 to vector<16xf32>
      %mul3A_678 = arith.mulf %mul3A_677, %broadcast_in_dim3A_640 : vector<16xf32>
      %mul3A_679 = arith.mulf %mul3A_678, %mul3A_675 : vector<16xf32>
      %mul3A_680 = arith.mulf %mul3A_679, %mul3A_675 : vector<16xf32>
      %sub3A_681 = arith.constant 1.500000e+00 : f32
      %sub3A_682 = vector.broadcast %sub3A_681 : f32 to vector<16xf32>
      %sub3A_683 = arith.subf %sub3A_682, %mul3A_680 : vector<16xf32>
      %mul3A_684 = arith.mulf %mul3A_675, %sub3A_683 : vector<16xf32>
      %add3A_685 = arith.constant 9.99999974E-6 : f32
      %add3A_686 = arith.addf %sub3A_637, %add3A_685 : f32
      %broadcast_in_dim3A_687 = vector.broadcast %add3A_686 : f32 to vector<16xf32>
      %bitcast_convert_type3A_688 = tpu.bitcast %broadcast_in_dim3A_687 : vector<16xf32> -> vector<16xi32>
      %shift_right_logical3A_689 = arith.constant 1 : i32
      %shift_right_logical3A_690 = vector.broadcast %shift_right_logical3A_689 : i32 to vector<16xi32>
      %shift_right_logical3A_691 = arith.shrui %bitcast_convert_type3A_688, %shift_right_logical3A_690 : vector<16xi32>
      %sub3A_692 = arith.constant 1597463007 : i32
      %sub3A_693 = vector.broadcast %sub3A_692 : i32 to vector<16xi32>
      %sub3A_694 = arith.subi %sub3A_693, %shift_right_logical3A_691 : vector<16xi32>
      %bitcast_convert_type3A_695 = tpu.bitcast %sub3A_694 : vector<16xi32> -> vector<16xf32>
      %mul3A_696 = arith.constant 5.000000e-01 : f32
      %mul3A_697 = vector.broadcast %mul3A_696 : f32 to vector<16xf32>
      %mul3A_698 = arith.mulf %mul3A_697, %broadcast_in_dim3A_687 : vector<16xf32>
      %mul3A_699 = arith.mulf %mul3A_698, %bitcast_convert_type3A_695 : vector<16xf32>
      %mul3A_700 = arith.mulf %mul3A_699, %bitcast_convert_type3A_695 : vector<16xf32>
      %sub3A_701 = arith.constant 1.500000e+00 : f32
      %sub3A_702 = vector.broadcast %sub3A_701 : f32 to vector<16xf32>
      %sub3A_703 = arith.subf %sub3A_702, %mul3A_700 : vector<16xf32>
      %mul3A_704 = arith.mulf %bitcast_convert_type3A_695, %sub3A_703 : vector<16xf32>
      %mul3A_705 = arith.constant 5.000000e-01 : f32
      %mul3A_706 = vector.broadcast %mul3A_705 : f32 to vector<16xf32>
      %mul3A_707 = arith.mulf %mul3A_706, %broadcast_in_dim3A_687 : vector<16xf32>
      %mul3A_708 = arith.mulf %mul3A_707, %mul3A_704 : vector<16xf32>
      %mul3A_709 = arith.mulf %mul3A_708, %mul3A_704 : vector<16xf32>
      %sub3A_710 = arith.constant 1.500000e+00 : f32
      %sub3A_711 = vector.broadcast %sub3A_710 : f32 to vector<16xf32>
      %sub3A_712 = arith.subf %sub3A_711, %mul3A_709 : vector<16xf32>
      %mul3A_713 = arith.mulf %mul3A_704, %sub3A_712 : vector<16xf32>
      %mul3A_714 = arith.constant 5.000000e-01 : f32
      %mul3A_715 = vector.broadcast %mul3A_714 : f32 to vector<16xf32>
      %mul3A_716 = arith.mulf %mul3A_715, %broadcast_in_dim3A_687 : vector<16xf32>
      %mul3A_717 = arith.mulf %mul3A_716, %mul3A_713 : vector<16xf32>
      %mul3A_718 = arith.mulf %mul3A_717, %mul3A_713 : vector<16xf32>
      %sub3A_719 = arith.constant 1.500000e+00 : f32
      %sub3A_720 = vector.broadcast %sub3A_719 : f32 to vector<16xf32>
      %sub3A_721 = arith.subf %sub3A_720, %mul3A_718 : vector<16xf32>
      %mul3A_722 = arith.mulf %mul3A_713, %sub3A_721 : vector<16xf32>
      %mul3A_723 = arith.constant 5.000000e-01 : f32
      %mul3A_724 = vector.broadcast %mul3A_723 : f32 to vector<16xf32>
      %mul3A_725 = arith.mulf %mul3A_724, %broadcast_in_dim3A_687 : vector<16xf32>
      %mul3A_726 = arith.mulf %mul3A_725, %mul3A_722 : vector<16xf32>
      %mul3A_727 = arith.mulf %mul3A_726, %mul3A_722 : vector<16xf32>
      %sub3A_728 = arith.constant 1.500000e+00 : f32
      %sub3A_729 = vector.broadcast %sub3A_728 : f32 to vector<16xf32>
      %sub3A_730 = arith.subf %sub3A_729, %mul3A_727 : vector<16xf32>
      %mul3A_731 = arith.mulf %mul3A_722, %sub3A_730 : vector<16xf32>
      %get3A_732 = arith.constant 0 : index
      %get3A_733 = tpu.vector_load %arg10[%get3A_732] {strides = array<i32>} : memref<448xf32, #tpu.memory_space<vmem>>, vector<16xf32>,
      %mul3A_734 = arith.mulf %get3A_733, %gather3A_526 : vector<16xf32>
      %get3A_735 = arith.constant 128 : index
      %get3A_736 = tpu.vector_load %arg10[%get3A_735] {strides = array<i32>} : memref<448xf32, #tpu.memory_space<vmem>>, vector<16xf32>,
      %mul3A_737 = arith.mulf %get3A_736, %sub3A_529 : vector<16xf32>
      %add3A_738 = arith.addf %mul3A_734, %mul3A_737 : vector<16xf32>
      %mul3A_739 = arith.mulf %add3A_738, %mul3A_684 : vector<16xf32>
      %get3A_740 = arith.constant 64 : index
      %get3A_741 = tpu.vector_load %arg10[%get3A_740] {strides = array<i32>} : memref<448xf32, #tpu.memory_space<vmem>>, vector<16xf32>,
      %mul3A_742 = arith.mulf %get3A_741, %gather3A_526 : vector<16xf32>
      %get3A_743 = arith.constant 192 : index
      %get3A_744 = tpu.vector_load %arg10[%get3A_743] {strides = array<i32>} : memref<448xf32, #tpu.memory_space<vmem>>, vector<16xf32>,
      %mul3A_745 = arith.mulf %get3A_744, %sub3A_529 : vector<16xf32>
      %add3A_746 = arith.addf %mul3A_742, %mul3A_745 : vector<16xf32>
      %sub3A_747 = vector.broadcast %mul3A_615 : f32 to vector<16xf32>
      %sub3A_748 = arith.subf %add3A_538, %sub3A_747 : vector<16xf32>
      %mul3A_749 = arith.mulf %sub3A_748, %mul3A_739 : vector<16xf32>
      %add3A_750 = arith.addf %mul3A_749, %add3A_746 : vector<16xf32>
      %sub3A_751 = vector.broadcast %mul3A_621 : f32 to vector<16xf32>
      %sub3A_752 = arith.subf %add3A_544, %sub3A_751 : vector<16xf32>
      %mul3A_753 = arith.mulf %sub3A_752, %mul3A_731 : vector<16xf32>
      %get3A_754 = arith.constant 256 : index
      %get3A_755 = tpu.vector_load %arg10[%get3A_754] {strides = array<i32>} : memref<448xf32, #tpu.memory_space<vmem>>, vector<16xf32>,
      %mul3A_756 = arith.mulf %mul3A_753, %get3A_755 : vector<16xf32>
      %add3A_757 = arith.addf %add3A_750, %mul3A_756 : vector<16xf32>
      %get3A_758 = arith.constant 320 : index
      %get3A_759 = tpu.vector_load %arg10[%get3A_758] {strides = array<i32>} : memref<448xf32, #tpu.memory_space<vmem>>, vector<16xf32>,
      %add3A_760 = arith.addf %add3A_757, %get3A_759 : vector<16xf32>
      %swap3A_761 = arith.index_cast %add3A_524 : i32 to index
      %swap3A_762 = arith.constant 0 : index
      %swap3A_763 = tpu.vector_load %arg16[%swap3A_761, %swap3A_762] {strides = array<i32>} : memref<50x64xf32, #tpu.memory_space<vmem>>, vector<16xf32>,
      tpu.vector_store %arg16[%swap3A_761, %swap3A_762], %add3A_760 {strides = array<i32>} : memref<50x64xf32, #tpu.memory_space<vmem>>, vector<16xf32>,
      %get3A_764 = arith.constant 16 : index
      %get3A_765 = tpu.vector_load %arg10[%get3A_764] {strides = array<i32>} : memref<448xf32, #tpu.memory_space<vmem>>, vector<16xf32>,
      %mul3A_766 = arith.mulf %get3A_765, %gather3A_526 : vector<16xf32>
      %get3A_767 = arith.constant 144 : index
      %get3A_768 = tpu.vector_load %arg10[%get3A_767] {strides = array<i32>} : memref<448xf32, #tpu.memory_space<vmem>>, vector<16xf32>,
      %mul3A_769 = arith.mulf %get3A_768, %sub3A_529 : vector<16xf32>
      %add3A_770 = arith.addf %mul3A_766, %mul3A_769 : vector<16xf32>
      %mul3A_771 = arith.mulf %add3A_770, %mul3A_684 : vector<16xf32>
      %get3A_772 = arith.constant 80 : index
      %get3A_773 = tpu.vector_load %arg10[%get3A_772] {strides = array<i32>} : memref<448xf32, #tpu.memory_space<vmem>>, vector<16xf32>,
      %mul3A_774 = arith.mulf %get3A_773, %gather3A_526 : vector<16xf32>
      %get3A_775 = arith.constant 208 : index
      %get3A_776 = tpu.vector_load %arg10[%get3A_775] {strides = array<i32>} : memref<448xf32, #tpu.memory_space<vmem>>, vector<16xf32>,
      %mul3A_777 = arith.mulf %get3A_776, %sub3A_529 : vector<16xf32>
      %add3A_778 = arith.addf %mul3A_774, %mul3A_777 : vector<16xf32>
      %sub3A_779 = vector.broadcast %mul3A_615 : f32 to vector<16xf32>
      %sub3A_780 = arith.subf %add3A_553, %sub3A_779 : vector<16xf32>
      %mul3A_781 = arith.mulf %sub3A_780, %mul3A_771 : vector<16xf32>
      %add3A_782 = arith.addf %mul3A_781, %add3A_778 : vector<16xf32>
      %sub3A_783 = vector.broadcast %mul3A_621 : f32 to vector<16xf32>
      %sub3A_784 = arith.subf %add3A_559, %sub3A_783 : vector<16xf32>
      %mul3A_785 = arith.mulf %sub3A_784, %mul3A_731 : vector<16xf32>
      %get3A_786 = arith.constant 272 : index
      %get3A_787 = tpu.vector_load %arg10[%get3A_786] {strides = array<i32>} : memref<448xf32, #tpu.memory_space<vmem>>, vector<16xf32>,
      %mul3A_788 = arith.mulf %mul3A_785, %get3A_787 : vector<16xf32>
      %add3A_789 = arith.addf %add3A_782, %mul3A_788 : vector<16xf32>
      %get3A_790 = arith.constant 336 : index
      %get3A_791 = tpu.vector_load %arg10[%get3A_790] {strides = array<i32>} : memref<448xf32, #tpu.memory_space<vmem>>, vector<16xf32>,
      %add3A_792 = arith.addf %add3A_789, %get3A_791 : vector<16xf32>
      %swap3A_793 = arith.index_cast %add3A_524 : i32 to index
      %swap3A_794 = arith.constant 16 : index
      %swap3A_795 = tpu.vector_load %arg16[%swap3A_793, %swap3A_794] {strides = array<i32>} : memref<50x64xf32, #tpu.memory_space<vmem>>, vector<16xf32>,
      tpu.vector_store %arg16[%swap3A_793, %swap3A_794], %add3A_792 {strides = array<i32>} : memref<50x64xf32, #tpu.memory_space<vmem>>, vector<16xf32>,
      %get3A_796 = arith.constant 32 : index
      %get3A_797 = tpu.vector_load %arg10[%get3A_796] {strides = array<i32>} : memref<448xf32, #tpu.memory_space<vmem>>, vector<16xf32>,
      %mul3A_798 = arith.mulf %get3A_797, %gather3A_526 : vector<16xf32>
      %get3A_799 = arith.constant 160 : index
      %get3A_800 = tpu.vector_load %arg10[%get3A_799] {strides = array<i32>} : memref<448xf32, #tpu.memory_space<vmem>>, vector<16xf32>,
      %mul3A_801 = arith.mulf %get3A_800, %sub3A_529 : vector<16xf32>
      %add3A_802 = arith.addf %mul3A_798, %mul3A_801 : vector<16xf32>
      %mul3A_803 = arith.mulf %add3A_802, %mul3A_684 : vector<16xf32>
      %get3A_804 = arith.constant 96 : index
      %get3A_805 = tpu.vector_load %arg10[%get3A_804] {strides = array<i32>} : memref<448xf32, #tpu.memory_space<vmem>>, vector<16xf32>,
      %mul3A_806 = arith.mulf %get3A_805, %gather3A_526 : vector<16xf32>
      %get3A_807 = arith.constant 224 : index
      %get3A_808 = tpu.vector_load %arg10[%get3A_807] {strides = array<i32>} : memref<448xf32, #tpu.memory_space<vmem>>, vector<16xf32>,
      %mul3A_809 = arith.mulf %get3A_808, %sub3A_529 : vector<16xf32>
      %add3A_810 = arith.addf %mul3A_806, %mul3A_809 : vector<16xf32>
      %sub3A_811 = vector.broadcast %mul3A_615 : f32 to vector<16xf32>
      %sub3A_812 = arith.subf %add3A_568, %sub3A_811 : vector<16xf32>
      %mul3A_813 = arith.mulf %sub3A_812, %mul3A_803 : vector<16xf32>
      %add3A_814 = arith.addf %mul3A_813, %add3A_810 : vector<16xf32>
      %sub3A_815 = vector.broadcast %mul3A_621 : f32 to vector<16xf32>
      %sub3A_816 = arith.subf %add3A_574, %sub3A_815 : vector<16xf32>
      %mul3A_817 = arith.mulf %sub3A_816, %mul3A_731 : vector<16xf32>
      %get3A_818 = arith.constant 288 : index
      %get3A_819 = tpu.vector_load %arg10[%get3A_818] {strides = array<i32>} : memref<448xf32, #tpu.memory_space<vmem>>, vector<16xf32>,
      %mul3A_820 = arith.mulf %mul3A_817, %get3A_819 : vector<16xf32>
      %add3A_821 = arith.addf %add3A_814, %mul3A_820 : vector<16xf32>
      %get3A_822 = arith.constant 352 : index
      %get3A_823 = tpu.vector_load %arg10[%get3A_822] {strides = array<i32>} : memref<448xf32, #tpu.memory_space<vmem>>, vector<16xf32>,
      %add3A_824 = arith.addf %add3A_821, %get3A_823 : vector<16xf32>
      %swap3A_825 = arith.index_cast %add3A_524 : i32 to index
      %swap3A_826 = arith.constant 32 : index
      %swap3A_827 = tpu.vector_load %arg16[%swap3A_825, %swap3A_826] {strides = array<i32>} : memref<50x64xf32, #tpu.memory_space<vmem>>, vector<16xf32>,
      tpu.vector_store %arg16[%swap3A_825, %swap3A_826], %add3A_824 {strides = array<i32>} : memref<50x64xf32, #tpu.memory_space<vmem>>, vector<16xf32>,
      %get3A_828 = arith.constant 48 : index
      %get3A_829 = tpu.vector_load %arg10[%get3A_828] {strides = array<i32>} : memref<448xf32, #tpu.memory_space<vmem>>, vector<16xf32>,
      %mul3A_830 = arith.mulf %get3A_829, %gather3A_526 : vector<16xf32>
      %get3A_831 = arith.constant 176 : index
      %get3A_832 = tpu.vector_load %arg10[%get3A_831] {strides = array<i32>} : memref<448xf32, #tpu.memory_space<vmem>>, vector<16xf32>,
      %mul3A_833 = arith.mulf %get3A_832, %sub3A_529 : vector<16xf32>
      %add3A_834 = arith.addf %mul3A_830, %mul3A_833 : vector<16xf32>
      %mul3A_835 = arith.mulf %add3A_834, %mul3A_684 : vector<16xf32>
      %get3A_836 = arith.constant 112 : index
      %get3A_837 = tpu.vector_load %arg10[%get3A_836] {strides = array<i32>} : memref<448xf32, #tpu.memory_space<vmem>>, vector<16xf32>,
      %mul3A_838 = arith.mulf %get3A_837, %gather3A_526 : vector<16xf32>
      %get3A_839 = arith.constant 240 : index
      %get3A_840 = tpu.vector_load %arg10[%get3A_839] {strides = array<i32>} : memref<448xf32, #tpu.memory_space<vmem>>, vector<16xf32>,
      %mul3A_841 = arith.mulf %get3A_840, %sub3A_529 : vector<16xf32>
      %add3A_842 = arith.addf %mul3A_838, %mul3A_841 : vector<16xf32>
      %sub3A_843 = vector.broadcast %mul3A_615 : f32 to vector<16xf32>
      %sub3A_844 = arith.subf %add3A_583, %sub3A_843 : vector<16xf32>
      %mul3A_845 = arith.mulf %sub3A_844, %mul3A_835 : vector<16xf32>
      %add3A_846 = arith.addf %mul3A_845, %add3A_842 : vector<16xf32>
      %sub3A_847 = vector.broadcast %mul3A_621 : f32 to vector<16xf32>
      %sub3A_848 = arith.subf %add3A_589, %sub3A_847 : vector<16xf32>
      %mul3A_849 = arith.mulf %sub3A_848, %mul3A_731 : vector<16xf32>
      %get3A_850 = arith.constant 304 : index
      %get3A_851 = tpu.vector_load %arg10[%get3A_850] {strides = array<i32>} : memref<448xf32, #tpu.memory_space<vmem>>, vector<16xf32>,
      %mul3A_852 = arith.mulf %mul3A_849, %get3A_851 : vector<16xf32>
      %add3A_853 = arith.addf %add3A_846, %mul3A_852 : vector<16xf32>
      %get3A_854 = arith.constant 368 : index
      %get3A_855 = tpu.vector_load %arg10[%get3A_854] {strides = array<i32>} : memref<448xf32, #tpu.memory_space<vmem>>, vector<16xf32>,
      %add3A_856 = arith.addf %add3A_853, %get3A_855 : vector<16xf32>
      %swap3A_857 = arith.index_cast %add3A_524 : i32 to index
      %swap3A_858 = arith.constant 48 : index
      %swap3A_859 = tpu.vector_load %arg16[%swap3A_857, %swap3A_858] {strides = array<i32>} : memref<50x64xf32, #tpu.memory_space<vmem>>, vector<16xf32>,
      tpu.vector_store %arg16[%swap3A_857, %swap3A_858], %add3A_856 {strides = array<i32>} : memref<50x64xf32, #tpu.memory_space<vmem>>, vector<16xf32>,
    }
    %scan3A_172 = arith.constant 25 : i32
    %mul3A_173 = arith.constant 300 : i32
    %mul3A_174 = arith.muli %shift_right_arithmetic3A_3, %mul3A_173 : i32
    %add3A_175 = arith.constant 100 : i32
    %add3A_176 = arith.addi %mul3A_174, %add3A_175 : i32
    %add3A_177 = arith.addi %add3A_176, %mul3A_9 : i32
    "tpu.region"() ({
      %run_scoped3A = tpu.sem_alloc : memref<!tpu.dma_semaphore, #tpu.memory_space<semaphore_mem>>
      %dma_start3A_187 = arith.constant 0 : i32
      %dma_start3A_188 = tpu.memref_slice %arg8[%add3A_177, %dma_start3A_187] : memref<2400x64xf32, #tpu.memory_space<hbm>> -> memref<50x64xf32, #tpu.memory_space<hbm>>
      %dma_start3A_189 = arith.constant 0 : i32
      %dma_start3A_190 = tpu.memref_slice %arg8[%add3A_177, %dma_start3A_189] : memref<2400x64xf32, #tpu.memory_space<hbm>> -> memref<50x64xf32, #tpu.memory_space<hbm>>
      tpu.enqueue_dma source(%arg16 : memref<50x64xf32, #tpu.memory_space<vmem>>) target(%dma_start3A_190 : memref<50x64xf32, #tpu.memory_space<hbm>>) target_semaphore(%run_scoped3A : memref<!tpu.dma_semaphore, #tpu.memory_space<semaphore_mem>>)
      %dma_wait3A_191 = arith.constant 0 : i32
      %dma_wait3A_192 = tpu.memref_slice %arg8[%add3A_177, %dma_wait3A_191] : memref<2400x64xf32, #tpu.memory_space<hbm>> -> memref<50x64xf32, #tpu.memory_space<hbm>>
      %dma_wait3A_193 = arith.constant 0 : i32
      %dma_wait3A_194 = tpu.memref_slice %arg8[%add3A_177, %dma_wait3A_193] : memref<2400x64xf32, #tpu.memory_space<hbm>> -> memref<50x64xf32, #tpu.memory_space<hbm>>
      tpu.wait_dma2 semaphore(%run_scoped3A : memref<!tpu.dma_semaphore, #tpu.memory_space<semaphore_mem>>) src(%arg16 : memref<50x64xf32, #tpu.memory_space<vmem>>) dst(%dma_wait3A_194 : memref<50x64xf32, #tpu.memory_space<hbm>>)
      tpu.yield
    }) : () -> ()
    %dma_wait3A_178 = arith.constant 0 : i32
    %dma_wait3A_179 = tpu.memref_slice %arg7[%mul3A_15, %dma_wait3A_178] : memref<800x64xf32, #tpu.memory_space<hbm>> -> memref<25x64xf32, #tpu.memory_space<hbm>>
    %dma_wait3A_180 = arith.constant 0 : i32
    %dma_wait3A_181 = tpu.memref_slice %arg7[%mul3A_15, %dma_wait3A_180] : memref<800x64xf32, #tpu.memory_space<hbm>> -> memref<25x64xf32, #tpu.memory_space<hbm>>
    tpu.wait_dma2 semaphore(%arg24 : memref<!tpu.dma_semaphore, #tpu.memory_space<semaphore_mem>>) src(%dma_wait3A_181 : memref<25x64xf32, #tpu.memory_space<hbm>>) dst(%arg18 : memref<25x64xf32, #tpu.memory_space<vmem>>)
    %mul3A_182 = arith.constant 300 : i32
    %mul3A_183 = arith.muli %shift_right_arithmetic3A_3, %mul3A_182 : i32
    %mul3A_184 = arith.constant 25 : i32
    %mul3A_185 = arith.muli %and3A_4, %mul3A_184 : i32
    %add3A_186 = arith.addi %mul3A_183, %mul3A_185 : i32
    "tpu.region"() ({
      %run_scoped3A = tpu.sem_alloc : memref<!tpu.dma_semaphore, #tpu.memory_space<semaphore_mem>>
      %dma_start3A_187 = arith.constant 0 : i32
      %dma_start3A_188 = tpu.memref_slice %arg8[%add3A_186, %dma_start3A_187] : memref<2400x64xf32, #tpu.memory_space<hbm>> -> memref<25x64xf32, #tpu.memory_space<hbm>>
      %dma_start3A_189 = arith.constant 0 : i32
      %dma_start3A_190 = tpu.memref_slice %arg8[%add3A_186, %dma_start3A_189] : memref<2400x64xf32, #tpu.memory_space<hbm>> -> memref<25x64xf32, #tpu.memory_space<hbm>>
      tpu.enqueue_dma source(%arg18 : memref<25x64xf32, #tpu.memory_space<vmem>>) target(%dma_start3A_190 : memref<25x64xf32, #tpu.memory_space<hbm>>) target_semaphore(%run_scoped3A : memref<!tpu.dma_semaphore, #tpu.memory_space<semaphore_mem>>)
      %dma_wait3A_191 = arith.constant 0 : i32
      %dma_wait3A_192 = tpu.memref_slice %arg8[%add3A_186, %dma_wait3A_191] : memref<2400x64xf32, #tpu.memory_space<hbm>> -> memref<25x64xf32, #tpu.memory_space<hbm>>
      %dma_wait3A_193 = arith.constant 0 : i32
      %dma_wait3A_194 = tpu.memref_slice %arg8[%add3A_186, %dma_wait3A_193] : memref<2400x64xf32, #tpu.memory_space<hbm>> -> memref<25x64xf32, #tpu.memory_space<hbm>>
      tpu.wait_dma2 semaphore(%run_scoped3A : memref<!tpu.dma_semaphore, #tpu.memory_space<semaphore_mem>>) src(%arg18 : memref<25x64xf32, #tpu.memory_space<vmem>>) dst(%dma_wait3A_194 : memref<25x64xf32, #tpu.memory_space<hbm>>)
      tpu.yield
    }) : () -> ()
    return
  }
}

</mosaic_0001>

<sc_bundles>
// kernel: kernel.3.cloned.1.call-start
scs
__scs_entry_jumppad:
0x0: {  	(pc) =	sbr.rel $0x88, $3  }
0x1: {  	(tag) =	ssettag $0x0;
	lr =	simm.s32 $0x1  }
0x2: {  	[smem:$0x3F94] =	sst lr;
	_ =	strace $0xD0000000  }
0x3: {  	_ = 	snop  }
0x4: {  	_ = 	snop  }
0x5: {  	_ = 	snop  }
0x6: {  	_ = 	snop  }
0x7: {  	_ = 	snop  }
__scs_overlays_trampoline_lowered:
0x8: {  	[smem:$0x3FA3] =	sst s0  }
0x9: {  	[smem:$0x3FA4] =	sst s1  }
0xa: {  	[smem:$0x3FA5] =	sst s2  }
0xb: {  	[smem:$0x3FA6] =	sst s3  }
0xc: {  	[smem:$0x3FA7] =	sst s4  }
0xd: {  	[smem:$0x3FA8] =	sst s5  }
0xe: {  	[smem:$0x3FA9] =	sst s6  }
0xf: {  	[smem:$0x3FAA] =	sst s7  }
0x10: {  	[smem:$0x3FAB] =	sst s8  }
0x11: {  	[smem:$0x3FAC] =	sst s9;
	s0 =	simm.s32 @!p0 $0x0  }
0x12: {  	s1 =	sld [smem:$0x3F92];
	s0 =	simm.s32 @p0 $0x1  }
0x13: {  	[smem:$0x3FAD] =	sst s0;
	s0 =	simm.s32 @!p1 $0x0  }
0x14: {  	s2 =	sld [smem:$0x3F91];
	s0 =	simm.s32 @p1 $0x1  }
0x15: {  	[smem:$0x3FAE] =	sst s0;
	s0 =	simm.s32 @!p2 $0x0  }
0x16: {  	s3 =	sld [smem:$0x3FDB];
	s0 =	simm.s32 @p2 $0x1  }
0x17: {  	s4 =	simm.s32 $0x1BF5;
	[smem:$0x3FB0] =	sst s0  }
0x18: {  	s0 =	sld [smem:$0x3F93];
	_ =	swait.ge [sflag:s4], $0x0  }
0x19: {  	s7 =	sld [smem:$0x3F94]  }
0x1a: {  	s8 =	sadd.s32 $0xFFFFE003, lr  }
0x1b: {  	s9 =	sadd.s32 $0xFFFFFEF7, lr;
	s5 =	simm.s32 $0xFFFFFFFF;
	p2 =	slt.u32 s8, $0xFFFFF086  }
0x1c: {  	p1 =	slt.u32 s9, $0xF7A;
	s5 =	simm.s32 @!p2 $0x0  }
0x1d: {  	s5 =	simm.s32 @p1 $0x1;
	p0 =	seq.s32 s7, s2  }
0x1e: {  	s7 =	smul.u32 @!p0 $0xF7A, s2;
	p2 =	seq.s32 @!p0 s5, $0x0  }
0x1f: {  	s9 =	smul.u32 $0xF7A, s1;
	s8 =	simm.s32 @!p0 $0x1BF5;
	p2 =	por !p2, p0  }
0x20: {  	[sflag:s8] =	ssyncset.s32 @!p0 $0xFFFFF086;
	s6 =	sadd.s32 @!p0 s3, s7;
	s7 =	simm.s32 @!p0 $0x108  }
0x21: {  	s3 =	sadd.s32 s3, s9;
	s6 =	sadd.s32 @!p0 $0x88, s6;
	s7 =	simm.s32 @p2 $0x1082  }
0x22: {  	[simem:s7], [sflag:s8] =	dma.local @!p0 [hbm:s6], $0xF7A  }
0x23: {  	s9 =	sor.u32 $0xD0000000, s2;
	s6 =	simm.s32 $0x108;
	_ =	swait.ge @!p0 [sflag:s8], $0x0  }
0x24: {  	s3 =	sadd.s32 $0x88, s3;
	s6 =	simm.s32 @!p1 $0x1082;
	[sflag:s4] =	ssyncset.s32 $0xFFFFF086  }
0x25: {  	[simem:s6], [sflag:s4] =	dma.local [hbm:s3], $0xF7A  }
0x26: {  	[smem:$0x3F94] =	sst s1;
	(tag) =	ssettag s2;
	_ =	strace s9  }
0x27: {  	s1 =	sld [smem:$0x3FA4]  }
0x28: {  	s2 =	sld [smem:$0x3FA5]  }
0x29: {  	s4 =	sld [smem:$0x3FA7]  }
0x2a: {  	p0 =	seq.s32 s5, $0x0;
	s5 =	sld [smem:$0x3FA8]  }
0x2b: {  	s6 =	sld [smem:$0x3FA9]  }
0x2c: {  	s7 =	sld [smem:$0x3FAA]  }
0x2d: {  	s3 =	simm.s32 $0x108;
	s8 =	sld [smem:$0x3FAB]  }
0x2e: {  	s3 =	simm.s32 @!p0 $0x1082;
	s9 =	sld [smem:$0x3FAC]  }
0x2f: {  	lr =	sadd.s32 s0, s3;
	s0 =	sld [smem:$0x3FA3]  }
0x30: {  	s3 =	sld [smem:$0x3FA6]  }
0x31: {  	[smem:$0x3FAF] =	sst s10  }
0x32: {  	s10 =	sld [smem:$0x3FAD];
	_ =	sdelay $0x3  }
0x33: {  	p0 =	seq.s32 s10, $0x1;
	s10 =	sld [smem:$0x3FAF];
	_ =	sdelay $0x3  }
0x34: {  	[smem:$0x3FAF] =	sst s10  }
0x35: {  	s10 =	sld [smem:$0x3FAE];
	_ =	sdelay $0x3  }
0x36: {  	p1 =	seq.s32 s10, $0x1;
	s10 =	sld [smem:$0x3FAF];
	_ =	sdelay $0x3  }
0x37: {  	[smem:$0x3FAF] =	sst s10  }
0x38: {  	s10 =	sld [smem:$0x3FB0]  }
0x39: {  	_ = 	snop;
	(pc) =	sbr.ind lr, $3  }
0x3a: {  	_ = 	snop  }
0x3b: {  	_ = 	snop  }
0x3c: {  	p2 =	seq.s32 s10, $0x1;
	s10 =	sld [smem:$0x3FAF]  }
0x3d: {  	_ =	shalt  }
0x3e: {  	_ =	shalt  }
0x3f: {  	_ =	shalt  }
0x40: {  	_ =	shalt  }
0x41: {  	_ =	shalt  }
0x42: {  	_ =	shalt  }
0x43: {  	_ =	shalt  }
0x44: {  	_ =	shalt  }
0x45: {  	_ =	shalt  }
0x46: {  	_ =	shalt  }
0x47: {  	_ =	shalt  }
0x48: {  	_ =	shalt  }
0x49: {  	_ =	shalt  }
0x4a: {  	_ =	shalt  }
0x4b: {  	_ =	shalt  }
0x4c: {  	_ =	shalt  }
0x4d: {  	_ =	shalt  }
0x4e: {  	_ =	shalt  }
0x4f: {  	_ =	shalt  }
0x50: {  	_ =	shalt  }
0x51: {  	_ =	shalt  }
0x52: {  	_ =	shalt  }
0x53: {  	_ =	shalt  }
0x54: {  	_ =	shalt  }
0x55: {  	_ =	shalt  }
0x56: {  	_ =	shalt  }
0x57: {  	_ =	shalt  }
0x58: {  	_ =	shalt  }
0x59: {  	_ =	shalt  }
0x5a: {  	_ =	shalt  }
0x5b: {  	_ =	shalt  }
0x5c: {  	_ =	shalt  }
0x5d: {  	_ =	shalt  }
0x5e: {  	_ =	shalt  }
0x5f: {  	_ =	shalt  }
0x60: {  	_ =	shalt  }
0x61: {  	_ =	shalt  }
0x62: {  	_ =	shalt  }
0x63: {  	_ =	shalt  }
0x64: {  	_ =	shalt  }
0x65: {  	_ =	shalt  }
0x66: {  	_ =	shalt  }
0x67: {  	_ =	shalt  }
0x68: {  	_ =	shalt  }
0x69: {  	_ =	shalt  }
0x6a: {  	_ =	shalt  }
0x6b: {  	_ =	shalt  }
0x6c: {  	_ =	shalt  }
0x6d: {  	_ =	shalt  }
0x6e: {  	_ =	shalt  }
0x6f: {  	_ =	shalt  }
0x70: {  	_ =	shalt  }
0x71: {  	_ =	shalt  }
0x72: {  	_ =	shalt  }
0x73: {  	_ =	shalt  }
0x74: {  	_ =	shalt  }
0x75: {  	_ =	shalt  }
0x76: {  	_ =	shalt  }
0x77: {  	_ =	shalt  }
0x78: {  	_ =	shalt  }
0x79: {  	_ =	shalt  }
0x7a: {  	_ =	shalt  }
0x7b: {  	_ =	shalt  }
0x7c: {  	_ =	shalt  }
0x7d: {  	_ =	shalt  }
0x7e: {  	_ =	shalt  }
0x7f: {  	_ =	shalt  }
0x80: {  	_ =	shalt  }
0x81: {  	_ =	shalt  }
0x82: {  	_ =	shalt  }
0x83: {  	_ =	shalt  }
0x84: {  	_ =	shalt  }
0x85: {  	_ =	shalt  }
0x86: {  	_ =	shalt  }
0x87: {  	_ =	shalt  }
.Lfunc_end0:
.L_simem_size_0:
called_computation_lowered:
.L_overlay_start_0:
0x88: {  	s2 =	sld [smem:$0x3FD9]  }
0x89: {  	s3 =	sld [smem:$0x3FFE];
	_ =	sdelay $0x1  }
0x8a: {  	s1 =	srdreg.scid  }
0x8b: {  	s0 =	sand.u32 $0x1, s1  }
0x8c: {  	s14 =	sshll.u32 s0, $0xA;
	s2 =	sadd.s32 s3, s2  }
0x8d: {  	s2 =	sadd.s32 s2, s14  }
0x8e: {  	[smem:$0x3FBB] =	sst s2  }
0x8f: {  	_ = 	snop  }
0x90: {  	s2 =	sld [smem:$0x3FD0];
	_ =	sdelay $0x2  }
0x91: {  	s15 =	simm.s32 $0xA;
	s4 =	simm.s32 $0x10  }
0x92: {  	[smem:s4], [sflag:s15] =	dma.local [hbm:s2], $0x1  }
0x93: {  	_ =	swait.eq [sflag:s15], $0x1  }
0x94: {  	[sflag:s15] =	ssyncset.done $0x0  }
0x95: {  	s16 =	sld [smem:$0x10];
	[sflag:s15] =	ssyncadd.s32 $0xFFFFFFFF  }
0x96: {  	s17 =	sld [smem:$0x12];
	(tm) =	ssettm $0x1  }
0x97: {  	s18 =	sld [smem:$0x3FFB];
	_ =	sdelay $0x3  }
0x98: {  	_ =	strace s18  }
0x99: {  	s4 =	sld [smem:$0x3FFC];
	_ =	sdelay $0x3  }
0x9a: {  	_ =	strace s4  }
0x9b: {  	s4 =	sld [smem:$0x3FFD];
	_ =	sdelay $0x3  }
0x9c: {  	_ =	strace s4  }
0x9d: {  	_ =	strace $0x8FFFFFFF  }
0x9e: {  	s19 =	sld [smem:$0x3FDB];
	_ =	sdelay $0x1  }
0x9f: {  	s5 =	simm.s32 $_scs_section_size  }
0xa0: {  	s6 =	simm.s32 $_size__tile_overlayer_lowered;
	s7 =	simm.s32 $_tile_overlayer_lowered  }
0xa1: {  	s22 =	simm.s32 $0x1BFF;
	s21 =	sshll.u32 s7, $0x1;
	s4 =	sadd.s32 s5, s19  }
0xa2: {  	s8 =	simm.s32 $0x0;
	s20 =	sshll.u32 s6, $0x1;
	s6 =	sadd.s32 s21, s4  }
0xa3: {  	[timem:s8], [sflag:s22] =	dma.local [hbm:s6], s20  }
0xa4: {  	_ =	swait.ge [sflag:s22], s20  }
0xa5: {  	s5 =	ssub.s32 $0x0, s20;
	[sflag:s22] =	ssyncset.done $0x0  }
0xa6: {  	[sflag:s22] =	ssyncadd.s32 s5;
	_ =	sdelay $0x1  }
0xa7: {  	s23 =	simm.s32 $0x1B8B  }
0xa8: {  	_ =	swait.ge [sflag:s23], $0x1  }
0xa9: {  	[sflag:s23] =	ssyncset.done $0x0  }
0xaa: {  	s25 =	simm.s32 $0x1B8E;
	s24 =	sld [smem:$0x3FFE];
	[sflag:s23] =	ssyncadd.s32 $0xFFFFFFFF  }
0xab: {  	s26 =	simm.s32 $execute0_lowered;
	[smem:$0x3FD2] =	sst s25  }
0xac: {  	s6 =	sshll.u32 s26, $0x1;
	_ =	strace $0x80000046;
	[dreg:$0x1] =	wrdreg $0xFFFFFFFF  }
0xad: {  	s28 =	simm.s32 $_size_execute0_lowered;
	s4 =	sadd.s32 s4, s6;
	[dreg:$0x0] =	wrdreg $0x0  }
0xae: {  	s6 =	sshll.u32 s28, $0x1;
	[dreg:$0x2] =	wrdreg s4  }
0xaf: {  	[dreg:$0x3] =	wrdreg s6  }
0xb0: {  	[dreg:$0x4] =	wrdreg $0xC0  }
0xb1: {  	_ =	task [dreg:s8], $0x5FFFF  }
0xb2: {  	[dreg:$0x1] =	wrdreg $0xFFFFFFFF  }
0xb3: {  	[dreg:$0x0] =	wrdreg $0x60  }
0xb4: {  	[dreg:$0x2] =	wrdreg s24  }
0xb5: {  	[dreg:$0x3] =	wrdreg s17  }
0xb6: {  	[dreg:$0x4] =	wrdreg s16  }
0xb7: {  	[dreg:$0x5] =	wrdreg $0x9  }
0xb8: {  	_ =	task.clear_ibuf [dreg:s8], $0x6FFFF;
	_ =	strace $0x90000046  }
0xb9: {  	s29 =	simm.s32 $0x9;
	_ =	strace $0x80000048  }
0xba: {  	_ =	swait.ge [sflag:s29], $0x1  }
0xbb: {  	[sflag:s29] =	ssyncadd.s32 $0xFFFFFFFF  }
0xbc: {  	_ =	strace $0x90000048  }
0xbd: {  	_ =	sfence  }
0xbe: {  	s30 =	sld [smem:$0x0];
	_ =	sdelay $0x2  }
0xbf: {  	s31 =	sshll.u32 s1, $0xD;
	s1 =	sshrl.u32 s1, $0x2  }
0xc0: {  	s3 =	sand.u32 $0x4000, s31;
	s1 =	sadd.s32 s1, s30  }
0xc1: {  	s0 =	sor.u32 s3, s0;
	s1 =	sshll.u32 s1, $0x11  }
0xc2: {  	s0 =	sor.u32 s1, s0  }
0xc3: {  	s0 =	sadd.s32 $0x8F2B, s0  }
0xc4: {  	[sflag:s0] =	ssyncadd.remote.s32 $0x1  }
0xc5: {  	_ =	sfence.sel $0xFFFF  }
0xc6: {  	[dreg:$0x0] =	wrdreg $0xFFFFFFFF;
	(pc) =	sbr.abs _section_cstart, $3  }
0xc7: {  	[dreg:$0x1] =	wrdreg $0xFFFFFFFF  }
0xc8: {  	_ =	task.clear_ibuf [dreg:s8], $0x2FFFF;
	_ =	strace $0x9FFFFFFF  }
0xc9: {  	(tm) =	ssettm $0x7FFFFFFF  }
tec
execute0_lowered:
.L_overlay_start_1:
0x0: {  	(tag) =	ssettag $0x1  }
0x1: {  	s0 =	rddreg [dreg:$0x0]  }
0x2: {  	s1 =	rddreg [dreg:$0x1];
	s2 =	srdreg.scid  }
0x3: {  	s12 =	stileid.u32;
	s10 =	rddreg [dreg:$0x2];
	s16 =	simm.s32 $0x3C00  }
0x4: {  	s21 =	simm.s32 $0x3;
	s22 =	simm.s32 $0x4;
	s23 =	simm.s32 $0x5  }
0x5: {  	s24 =	simm.s32 $0x2;
	s28 =	simm.s32 $0x7;
	s29 =	simm.s32 $0x6  }
0x6: {  	s30 =	simm.s32 $0x0;
	s5 =	sand.u32 $0x1, s2;
	s3 =	sshll.u32 s12, $0x1  }
0x7: {  	s2 =	simm.s32 $0x0;
	s4 =	sadd.s32 $0x188600, s0;
	s12 =	sshrl.u32 s12, $0x1  }
0x8: {  	s7 =	sor.u32 s5, s3;
	[smem:$0x7FF] =	sst s2;
	s12 =	smul.u32 $0x12C, s12  }
0x9: {  	s11 =	ssub.s32 $0x2, s5;
	s8 =	sand.u32 $0x3, s7;
	s25 =	smul.u32 $0xC8, s7  }
0xa: {  	s5 =	sadd.s32 $0x1C00, s0;
	s3 =	sshll.u32 s7, $0x3;
	s9 =	smul.u32 $0x190, s8  }
0xb: {  	_ =	strace $0x80000047;
	s14 =	sshrl.u32 s11, $0x1;
	s13 =	smul.u32 $0x32, s8  }
0xc: {  	s6 =	sadd.s32 s3, s0;
	s11 =	ssub.s32 s11, s14;
	s8 =	smul.u32 $0x19, s8  }
0xd: {  	s3 =	sadd.s32 $0x3400, s0;
	s6 =	sadd.s32 $0x3200, s6;
	s11 =	smax.u32 s11, $0x1  }
0xe: {  	s0 =	sadd.s32 s9, s0;
	s13 =	sadd.s32 s13, s12;
	s12 =	sadd.s32 s12, s8  }
0xf: {  	s8 =	sadd.s32 s1, s25;
	s25 =	simm.s32 $0x3BC0;
	s26 =	sshll.u32 s13, $0x3  }
0x10: {  	v0 =	vlaneseq.u32;
	v1 =	vimm.f32 $0.0e+00;
	s7 =	sadd.s32 $0x2A00, s0;
	s31 =	sshll.u32 s12, $0x3;
	s0 =	sadd.s32 s10, s26  }
0x11: {  	v2 =	vor.u32 $0x10, v0;
	v3 =	vor.u32 $0x20, v0;
	v4 =	vor.u32 $0x30, v0;
	s12 =	simm.s32 $0x40;
	s10 =	sadd.s32 s10, s31;
	s9 =	sadd.s32 $0x320, s0  }
.LBB2_1:
0x12: {  	s0 =	simm.s32 $0x800  }
0x13: {  	[tilespmem:s2], [sflag:$0x1] =	stream.strided.gather [hbm4b:s6+s12], $0x80, s0, s12, $0x38;
	[tilespmem:$0x4240] =	vst v63  }
0x14: {  	s17 =	simm.s32 $0x80  }
0x15: {  	[tilespmem:s17], [sflag:$0x2] =	stream.linear.gather [hbm4b:s3+s2], $0x1C0, $0x38;
	[tilespmem:$0x4240] =	vst v63  }
0x16: {  	s18 =	simm.s32 $0x22C0  }
0x17: {  	[tilespmem:s18], [sflag:$0x5] =	stream.linear.gather [hbm4b:s7+s2], $0xC80, $0x38;
	[tilespmem:$0x4240] =	vst v63  }
0x18: {  	s31 =	simm.s32 $0x1  }
0x19: {  	[tilespmem:s16], [sflag:$0x6] =	stream.linear.gather [hbm4b:s8+s2], $0x640, $0x38;
	[tilespmem:$0x4240] =	vst v63  }
0x1a: {  	_ =	swait.ge [sflag:s31], $0x80  }
0x1b: {  	[sflag:s31] =	ssyncset.done $0x0  }
0x1c: {  	[sflag:s31] =	ssyncadd.s32 $0xFFFFFF80  }
0x1d: {  	v5 =	vld [tilespmem:$0x0]  }
0x1e: {  	v6 =	vld [tilespmem:$0x40];
	_ =	sdelay $0x1  }
0x1f: {  	v7 =	vld [tilespmem:$0x10]  }
0x20: {  	v8 =	vld [tilespmem:$0x50];
	_ =	sdelay $0x1  }
0x21: {  	v9 =	vld [tilespmem:$0x20];
	vm0 =	vlt.s32 v5, $0x186A0;
	v6 =	vadd.s32 v6, v5  }
0x22: {  	v10 =	vld [tilespmem:$0x60];
	v5 =	vsel vm0, v5, v0;
	v6 =	vadd.s32 $0xFFFE7960, v6  }
0x23: {  	[tilespmem:$0x240] =	vst v5;
	v5 =	vsel vm0, v0, v6  }
0x24: {  	v63 =	vld [tilespmem:$0x30];
	vm13 =	vlt.s32 v7, $0x186A0;
	v6 =	vadd.s32 v8, v7;
	[tilespmem:$0x280] =	vst v5;
	v5 =	vsel vm0, $0x3F800000, v1  }
0x25: {  	v6 =	vadd.s32 $0xFFFE7960, v6;
	[tilespmem:$0x3BC0] =	vst v5;
	v5 =	vsel vm13, v7, v2;
	v7 =	vld [tilespmem:$0x70]  }
0x26: {  	[tilespmem:$0x250] =	vst v5;
	v5 =	vsel vm13, v2, v6  }
0x27: {  	vm14 =	vlt.s32 v9, $0x186A0;
	v6 =	vadd.s32 v10, v9;
	[tilespmem:$0x290] =	vst v5;
	v5 =	vsel vm13, $0x3F800000, v1  }
0x28: {  	v6 =	vadd.s32 $0xFFFE7960, v6;
	[tilespmem:$0x3BD0] =	vst v5;
	v5 =	vsel vm14, v9, v3  }
0x29: {  	[tilespmem:$0x260] =	vst v5;
	v5 =	vsel vm14, v3, v6  }
0x2a: {  	vm15 =	vlt.s32 v63, $0x186A0;
	[tilespmem:$0x2A0] =	vst v5;
	v5 =	vsel vm14, $0x3F800000, v1;
	v6 =	vadd.s32 v7, v63  }
0x2b: {  	[tilespmem:$0x3BE0] =	vst v5;
	v5 =	vsel vm15, v63, v4;
	v6 =	vadd.s32 $0xFFFE7960, v6  }
0x2c: {  	[tilespmem:$0x270] =	vst v5;
	v5 =	vsel vm15, v4, v6  }
0x2d: {  	[tilespmem:$0x2B0] =	vst v5;
	v5 =	vsel vm15, $0x3F800000, v1  }
0x2e: {  	s19 =	simm.s32 $0x240;
	s1 =	simm.s32 $0x2C0;
	[tilespmem:$0x3BF0] =	vst v5  }
0x2f: {  	[tilespmem:s1], [sflag:$0x3] =	stream.indirect.gather [hbm4b:s4+s12], $0x40, s19, s12, $0xb8;
	[tilespmem:$0x4240] =	vst v63  }
0x30: {  	s20 =	simm.s32 $0x280;
	s26 =	simm.s32 $0x12C0  }
0x31: {  	[tilespmem:s26], [sflag:$0x4] =	stream.indirect.gather [hbm4b:s5+s12], $0x40, s20, s12, $0xb8;
	[tilespmem:$0x4240] =	vst v63  }
0x32: {  	_ =	swait.ge [sflag:s21], $0x1000  }
0x33: {  	[sflag:s21] =	ssyncset.done $0x0  }
0x34: {  	[sflag:s21] =	ssyncadd.s32 $0xFFFFF000  }
0x35: {  	_ =	swait.ge [sflag:s22], $0x1000  }
0x36: {  	[sflag:s22] =	ssyncset.done $0x0  }
0x37: {  	[sflag:s22] =	ssyncadd.s32 $0xFFFFF000  }
0x38: {  	_ =	swait.ge [sflag:s23], $0xC80  }
0x39: {  	[sflag:s23] =	ssyncset.done $0x0  }
0x3a: {  	[sflag:s23] =	ssyncadd.s32 $0xFFFFF380  }
0x3b: {  	_ =	swait.ge [sflag:s24], $0x1C0  }
0x3c: {  	s13 =	simm.s32 $0x2300;
	s14 =	simm.s32 $0x2F80;
	[sflag:s24] =	ssyncset.done $0x0  }
0x3d: {  	s0 =	simm.s32 $0x1300;
	s1 =	simm.s32 $0x300;
	[sflag:s24] =	ssyncadd.s32 $0xFFFFFE40  }
.LBB2_2:
0x3e: {  	s15 =	sadd.s32 $0xFFFFFFFF, s31  }
0x3f: {  	v7 =	vld [tilespmem:s1+$0xFFFFFFC0];
	v5 =	vmov s15  }
0x40: {  	v8 =	vld [tilespmem:s0+$0xFFFFFFC0];
	v5 =	vand.u32 $0xFFFFFFFE, v5  }
0x41: {  	v9 =	vld [tilespmem:s13+$0xFFFFFFC0];
	v5 =	vbroadcast v5, $0x0  }
0x42: {  	v10 =	vld [tilespmem:$0x200]  }
0x43: {  	v11 =	vld [tilespmem:s1+$0xFFFFFFD0]  }
0x44: {  	v12 =	vld [tilespmem:s0+$0xFFFFFFD0]  }
0x45: {  	v13 =	vld [tilespmem:s13+$0xFFFFFFD0]  }
0x46: {  	v14 =	vld [tilespmem:$0x210]  }
0x47: {  	v5 =	vld.idx.msk [tilespmem:v5+s25+$0x0], $0xffff  }
0x48: {  	v15 =	vld [tilespmem:s1+$0xFFFFFFE0]  }
0x49: {  	v16 =	vld [tilespmem:s0+$0xFFFFFFE0]  }
0x4a: {  	v17 =	vld [tilespmem:s13+$0xFFFFFFE0]  }
0x4b: {  	v18 =	vld [tilespmem:s1+$0xFFFFFFF0]  }
0x4c: {  	v20 =	vld [tilespmem:$0x220];
	v6 =	vsub.f32 $1.000000000e+00, v5  }
0x4d: {  	v19 =	vld [tilespmem:s0+$0xFFFFFFF0]  }
0x4e: {  	v7 =	vmul.f32 v7, v5;
	v8 =	vmul.f32 v8, v6  }
0x4f: {  	v21 =	vld [tilespmem:s13+$0xFFFFFFF0];
	v23 =	vadd.f32 v10, v9;
	v13 =	vadd.f32 v14, v13  }
0x50: {  	v50 =	vld [tilespmem:$0x230];
	v49 =	vmul.f32 v12, v6;
	v22 =	vadd.f32 v8, v7;
	v7 =	vmul.f32 v11, v5  }
0x51: {  	v10 =	vadd.f32 v20, v17;
	v51 =	vmul.f32 v15, v5;
	v52 =	vmul.f32 v16, v6  }
0x52: {  	v53 =	vmul.f32 v19, v6;
	v11 =	vadd.f32 v49, v7;
	v7 =	vmul.f32 v18, v5  }
0x53: {  	v61 =	vadd.f32 v13, v23;
	v63 =	vmul.f32 v23, v23;
	v9 =	vadd.f32 v52, v51  }
0x54: {  	v24 =	vmul.f32 v13, v13;
	v54 =	vmul.f32 v22, v22;
	v7 =	vadd.f32 v53, v7  }
0x55: {  	v8 =	vadd.f32 v50, v21;
	v57 =	vmul.f32 v9, v9;
	v55 =	vmul.f32 v11, v11  }
0x56: {  	v56 =	vadd.f32 v11, v22;
	v58 =	vmul.f32 v7, v7;
	v59 =	vadd.f32 v7, v9  }
0x57: {  	v25 =	vmul.f32 v10, v10;
	v62 =	vadd.f32 v8, v10;
	v12 =	vadd.f32 v55, v54  }
0x58: {  	v21 =	vmul.f32 v8, v8;
	v60 =	vadd.f32 v58, v57;
	v15 =	vadd.f32 v59, v56  }
0x59: {  	v27 =	vadd.f32 v24, v63;
	v26 =	vadd.f32 v62, v61  }
0x5a: {  	v28 =	vadd.f32 v21, v25;
	v12 =	vadd.f32 v60, v12;
	(xrf2) =	vadd.scan.msk.f32 $0xffff, v15  }
0x5b: {  	(xrf2) =	vadd.scan.msk.f32 $0xffff, v26  }
0x5c: {  	v29 =	vadd.f32 v28, v27;
	(xrf2) =	vadd.scan.msk.f32 $0xffff, v12;
	_ =	sdelay $0x1  }
0x5d: {  	(xrf2) =	vadd.scan.msk.f32 $0xffff, v29;
	_ =	sdelay $0x5  }
0x5e: {  	v30, _, _ =	vpop (xrf2)  }
0x5f: {  	(v2sf) =	vpush v30, $0xF;
	v31, _, _ =	vpop (xrf2)  }
0x60: {  	(v2sf) =	vpush v31, $0xF;
	v32, _, _ =	vpop (xrf2)  }
0x61: {  	(v2sf) =	vpush v32, $0xF  }
0x62: {  	v33, _, _ =	vpop (xrf2)  }
0x63: {  	(v2sf) =	vpush v33, $0xF;
	_ =	sdelay $0xa  }
0x64: {  	s20 =	spop (v2sf)  }
0x65: {  	s15 =	smul.f32 $1.562500000e-02, s20;
	s17 =	spop (v2sf)  }
0x66: {  	s17 =	smul.f32 $1.562500000e-02, s17;
	s18 =	spop (v2sf)  }
0x67: {  	s18 =	smul.f32 $1.562500000e-02, s18  }
0x68: {  	s19 =	smul.f32 s15, s15;
	s20 =	spop (v2sf)  }
0x69: {  	s20 =	smul.f32 $1.562500000e-02, s20  }
0x6a: {  	s26 =	smul.f32 s17, s17  }
0x6b: {  	s18 =	ssub.f32 s18, s19  }
0x6c: {  	s26 =	ssub.f32 s20, s26  }
0x6d: {  	s18 =	sadd.f32 $9.999999740e-06, s18;
	_ =	sdelay $0x1  }
0x6e: {  	s19 =	sadd.f32 $9.999999740e-06, s26;
	v34 =	vmov s18  }
0x6f: {  	v35 =	vshrl.u32 v34, $0x1;
	v12 =	vmul.f32 $5.000000000e-01, v34  }
0x70: {  	v36 =	vmov s19;
	v14 =	vsub.s32 $0x5F3759DF, v35  }
0x71: {  	v37 =	vshrl.u32 v36, $0x1;
	v15 =	vmul.f32 $5.000000000e-01, v36;
	v38 =	vmul.f32 v14, v12  }
0x72: {  	v16 =	vsub.s32 $0x5F3759DF, v37  }
0x73: {  	v39 =	vmul.f32 v16, v15;
	v17 =	vmul.f32 v14, v38;
	_ =	sdelay $0x1  }
0x74: {  	v18 =	vmul.f32 v16, v39;
	v17 =	vsub.f32 $1.500000000e+00, v17;
	_ =	sdelay $0x1  }
0x75: {  	v18 =	vsub.f32 $1.500000000e+00, v18;
	v14 =	vmul.f32 v14, v17;
	_ =	sdelay $0x1  }
0x76: {  	v16 =	vmul.f32 v16, v18;
	v17 =	vmul.f32 v14, v12;
	_ =	sdelay $0x1  }
0x77: {  	v18 =	vmul.f32 v16, v15;
	v17 =	vmul.f32 v17, v14;
	_ =	sdelay $0x1  }
0x78: {  	v18 =	vmul.f32 v18, v16;
	v17 =	vsub.f32 $1.500000000e+00, v17;
	_ =	sdelay $0x1  }
0x79: {  	v18 =	vsub.f32 $1.500000000e+00, v18;
	v14 =	vmul.f32 v17, v14;
	_ =	sdelay $0x1  }
0x7a: {  	v16 =	vmul.f32 v18, v16;
	v17 =	vmul.f32 v14, v12;
	_ =	sdelay $0x1  }
0x7b: {  	v18 =	vmul.f32 v16, v15;
	v17 =	vmul.f32 v17, v14;
	_ =	sdelay $0x1  }
0x7c: {  	v18 =	vmul.f32 v18, v16;
	v17 =	vsub.f32 $1.500000000e+00, v17;
	_ =	sdelay $0x1  }
0x7d: {  	v40 =	vld [tilespmem:$0x80];
	v18 =	vsub.f32 $1.500000000e+00, v18;
	v14 =	vmul.f32 v17, v14  }
0x7e: {  	v41 =	vld [tilespmem:$0x100]  }
0x7f: {  	v42 =	vld [tilespmem:$0xC0];
	v16 =	vmul.f32 v18, v16;
	v12 =	vmul.f32 v14, v12;
	_ =	sdelay $0x1  }
0x80: {  	v43 =	vld [tilespmem:$0x140];
	v15 =	vmul.f32 v16, v15;
	v12 =	vmul.f32 v12, v14  }
0x81: {  	v17 =	vmul.f32 v40, v5  }
0x82: {  	v18 =	vmul.f32 v41, v6;
	v15 =	vmul.f32 v15, v16;
	v12 =	vsub.f32 $1.500000000e+00, v12  }
0x83: {  	v46 =	vmul.f32 v42, v5;
	v47 =	vmov s15  }
0x84: {  	v45 =	vadd.f32 v18, v17;
	v44 =	vsub.f32 $1.500000000e+00, v15;
	v12 =	vmul.f32 v12, v14  }
0x85: {  	v20 =	vmul.f32 v43, v6;
	v49 =	vld [tilespmem:$0x180];
	v48 =	vmov s17;
	v50 =	vsub.f32 v22, v47  }
0x86: {  	v51 =	vsub.f32 v23, v48;
	v14 =	vmul.f32 v44, v16;
	v15 =	vmul.f32 v12, v45;
	_ =	sdelay $0x1  }
0x87: {  	v16 =	vadd.f32 v20, v46;
	v52 =	vmul.f32 v14, v51;
	v15 =	vmul.f32 v15, v50  }
0x88: {  	v53 =	vld [tilespmem:$0x1C0]  }
0x89: {  	v54 =	vmul.f32 v52, v49;
	v15 =	vadd.f32 v15, v16;
	_ =	sdelay $0x1  }
0x8a: {  	v15 =	vadd.f32 v54, v15;
	_ =	sdelay $0x1  }
0x8b: {  	v15 =	vadd.f32 v15, v53;
	_ =	sdelay $0x1  }
0x8c: {  	[tilespmem:s14+$0xFFFFFFC0] =	vst v15  }
0x8d: {  	v15 =	vld [tilespmem:$0x90]  }
0x8e: {  	v55 =	vld [tilespmem:$0x110];
	_ =	sdelay $0x2  }
0x8f: {  	v56 =	vld [tilespmem:$0xD0]  }
0x90: {  	v57 =	vld [tilespmem:$0x150]  }
0x91: {  	v15 =	vmul.f32 v15, v5;
	v16 =	vmul.f32 v55, v6;
	_ =	sdelay $0x1  }
0x92: {  	v15 =	vadd.f32 v16, v15  }
0x93: {  	v11 =	vsub.f32 v11, v47;
	v59 =	vld [tilespmem:$0x190];
	v58 =	vmul.f32 v56, v5  }
0x94: {  	v13 =	vsub.f32 v13, v48;
	v20 =	vmul.f32 v57, v6;
	v15 =	vmul.f32 v12, v15;
	_ =	sdelay $0x1  }
0x95: {  	v13 =	vmul.f32 v14, v13;
	v16 =	vadd.f32 v20, v58;
	v11 =	vmul.f32 v15, v11  }
0x96: {  	v60 =	vld [tilespmem:$0x1D0]  }
0x97: {  	v13 =	vmul.f32 v13, v59;
	v11 =	vadd.f32 v11, v16;
	_ =	sdelay $0x1  }
0x98: {  	v11 =	vadd.f32 v13, v11;
	_ =	sdelay $0x1  }
0x99: {  	v11 =	vadd.f32 v11, v60;
	_ =	sdelay $0x1  }
0x9a: {  	[tilespmem:s14+$0xFFFFFFD0] =	vst v11  }
0x9b: {  	v11 =	vld [tilespmem:$0xA0]  }
0x9c: {  	v61 =	vld [tilespmem:$0x120];
	_ =	sdelay $0x2  }
0x9d: {  	v62 =	vld [tilespmem:$0xE0]  }
0x9e: {  	v63 =	vld [tilespmem:$0x160]  }
0x9f: {  	v11 =	vmul.f32 v11, v5;
	v13 =	vmul.f32 v61, v6;
	_ =	sdelay $0x1  }
0xa0: {  	v11 =	vadd.f32 v13, v11  }
0xa1: {  	v9 =	vsub.f32 v9, v47;
	v21 =	vld [tilespmem:$0x1A0];
	v20 =	vmul.f32 v62, v5  }
0xa2: {  	v10 =	vsub.f32 v10, v48;
	v16 =	vmul.f32 v63, v6;
	v11 =	vmul.f32 v12, v11;
	_ =	sdelay $0x1  }
0xa3: {  	v10 =	vmul.f32 v14, v10;
	v13 =	vadd.f32 v16, v20;
	v9 =	vmul.f32 v11, v9  }
0xa4: {  	v22 =	vld [tilespmem:$0x1E0]  }
0xa5: {  	v10 =	vmul.f32 v10, v21;
	v9 =	vadd.f32 v9, v13;
	_ =	sdelay $0x1  }
0xa6: {  	v9 =	vadd.f32 v10, v9;
	_ =	sdelay $0x1  }
0xa7: {  	v9 =	vadd.f32 v9, v22;
	_ =	sdelay $0x1  }
0xa8: {  	[tilespmem:s14+$0xFFFFFFE0] =	vst v9  }
0xa9: {  	v9 =	vld [tilespmem:$0xB0]  }
0xaa: {  	v23 =	vld [tilespmem:$0x130];
	_ =	sdelay $0x2  }
0xab: {  	v24 =	vld [tilespmem:$0xF0]  }
0xac: {  	v25 =	vld [tilespmem:$0x170]  }
0xad: {  	v9 =	vmul.f32 v9, v5;
	v10 =	vmul.f32 v23, v6;
	_ =	sdelay $0x1  }
0xae: {  	v9 =	vadd.f32 v10, v9  }
0xaf: {  	v7 =	vsub.f32 v7, v47;
	v26 =	vld [tilespmem:$0x1B0];
	v5 =	vmul.f32 v24, v5  }
0xb0: {  	v8 =	vsub.f32 v8, v48;
	v6 =	vmul.f32 v25, v6;
	v9 =	vmul.f32 v12, v9;
	_ =	sdelay $0x1  }
0xb1: {  	v5 =	vadd.f32 v6, v5;
	v6 =	vmul.f32 v9, v7;
	v7 =	vmul.f32 v14, v8  }
0xb2: {  	v27 =	vld [tilespmem:$0x1F0]  }
0xb3: {  	v5 =	vadd.f32 v6, v5;
	v6 =	vmul.f32 v7, v26;
	_ =	sdelay $0x1  }
0xb4: {  	v5 =	vadd.f32 v6, v5;
	v6 =	vmov s31;
	_ =	sdelay $0x1  }
0xb5: {  	v5 =	vadd.f32 v5, v27;
	_ =	sdelay $0x1  }
0xb6: {  	[tilespmem:s14+$0xFFFFFFF0] =	vst v5  }
0xb7: {  	v5 =	vld.idx.msk [tilespmem:v6+s25+$0x0], $0xffff  }
0xb8: {  	v7 =	vld [tilespmem:s1+$0x0]  }
0xb9: {  	v28 =	vld [tilespmem:s0+$0x0]  }
0xba: {  	v29 =	vld [tilespmem:s13+$0x0]  }
0xbb: {  	v30 =	vld [tilespmem:$0x200]  }
0xbc: {  	v31 =	vld [tilespmem:s1+$0x10]  }
0xbd: {  	v32 =	vld [tilespmem:s0+$0x10]  }
0xbe: {  	v33 =	vld [tilespmem:s13+$0x10]  }
0xbf: {  	v34 =	vld [tilespmem:$0x210]  }
0xc0: {  	v35 =	vld [tilespmem:s1+$0x20]  }
0xc1: {  	v36 =	vld [tilespmem:s0+$0x20]  }
0xc2: {  	v37 =	vld [tilespmem:s13+$0x20]  }
0xc3: {  	v38 =	vld [tilespmem:s1+$0x30]  }
0xc4: {  	v40 =	vld [tilespmem:$0x220];
	v6 =	vsub.f32 $1.000000000e+00, v5  }
0xc5: {  	v39 =	vld [tilespmem:s0+$0x30]  }
0xc6: {  	v7 =	vmul.f32 v7, v5;
	v8 =	vmul.f32 v28, v6  }
0xc7: {  	v41 =	vld [tilespmem:s13+$0x30];
	v45 =	vadd.f32 v30, v29;
	v46 =	vmul.f32 v35, v5  }
0xc8: {  	v44 =	vld [tilespmem:$0x230];
	v43 =	vmul.f32 v32, v6;
	v42 =	vadd.f32 v8, v7;
	v7 =	vmul.f32 v31, v5  }
0xc9: {  	v13 =	vadd.f32 v34, v33;
	v10 =	vadd.f32 v40, v37;
	v47 =	vmul.f32 v36, v6  }
0xca: {  	v48 =	vmul.f32 v39, v6;
	v11 =	vadd.f32 v43, v7;
	v7 =	vmul.f32 v38, v5  }
0xcb: {  	v56 =	vadd.f32 v13, v45;
	v58 =	vmul.f32 v45, v45;
	v9 =	vadd.f32 v47, v46  }
0xcc: {  	v59 =	vmul.f32 v13, v13;
	v49 =	vmul.f32 v42, v42;
	v7 =	vadd.f32 v48, v7  }
0xcd: {  	v8 =	vadd.f32 v44, v41;
	v52 =	vmul.f32 v9, v9;
	v50 =	vmul.f32 v11, v11  }
0xce: {  	v51 =	vadd.f32 v11, v42;
	v53 =	vmul.f32 v7, v7;
	v54 =	vadd.f32 v7, v9  }
0xcf: {  	v60 =	vmul.f32 v10, v10;
	v57 =	vadd.f32 v8, v10;
	v12 =	vadd.f32 v50, v49  }
0xd0: {  	v21 =	vmul.f32 v8, v8;
	v55 =	vadd.f32 v53, v52;
	v15 =	vadd.f32 v54, v51  }
0xd1: {  	v62 =	vadd.f32 v59, v58;
	v61 =	vadd.f32 v57, v56  }
0xd2: {  	v63 =	vadd.f32 v21, v60;
	v12 =	vadd.f32 v55, v12;
	(xrf2) =	vadd.scan.msk.f32 $0xffff, v15  }
0xd3: {  	(xrf2) =	vadd.scan.msk.f32 $0xffff, v61  }
0xd4: {  	v19 =	vadd.f32 v63, v62;
	(xrf2) =	vadd.scan.msk.f32 $0xffff, v12;
	_ =	sdelay $0x1  }
0xd5: {  	(xrf2) =	vadd.scan.msk.f32 $0xffff, v19;
	_ =	sdelay $0x5  }
0xd6: {  	v20, _, _ =	vpop (xrf2)  }
0xd7: {  	v21, _, _ =	vpop (xrf2);
	(v2sf) =	vpush v20, $0xF  }
0xd8: {  	v24, _, _ =	vpop (xrf2);
	(v2sf) =	vpush v21, $0xF  }
0xd9: {  	(v2sf) =	vpush v24, $0xF  }
0xda: {  	v25, _, _ =	vpop (xrf2)  }
0xdb: {  	(v2sf) =	vpush v25, $0xF;
	_ =	sdelay $0xa  }
0xdc: {  	s18 =	spop (v2sf)  }
0xdd: {  	s19 =	spop (v2sf);
	s15 =	smul.f32 $1.562500000e-02, s18  }
0xde: {  	s20 =	spop (v2sf);
	s17 =	smul.f32 $1.562500000e-02, s19  }
0xdf: {  	s18 =	smul.f32 $1.562500000e-02, s20  }
0xe0: {  	s19 =	smul.f32 s15, s15;
	s26 =	spop (v2sf)  }
0xe1: {  	s20 =	smul.f32 $1.562500000e-02, s26  }
0xe2: {  	s26 =	smul.f32 s17, s17  }
0xe3: {  	s18 =	ssub.f32 s18, s19  }
0xe4: {  	s26 =	ssub.f32 s20, s26  }
0xe5: {  	s18 =	sadd.f32 $9.999999740e-06, s18;
	_ =	sdelay $0x1  }
0xe6: {  	s19 =	sadd.f32 $9.999999740e-06, s26;
	v26 =	vmov s18  }
0xe7: {  	v27 =	vshrl.u32 v26, $0x1;
	v12 =	vmul.f32 $5.000000000e-01, v26  }
0xe8: {  	v28 =	vmov s19;
	v14 =	vsub.s32 $0x5F3759DF, v27  }
0xe9: {  	v29 =	vshrl.u32 v28, $0x1;
	v15 =	vmul.f32 $5.000000000e-01, v28;
	v30 =	vmul.f32 v14, v12  }
0xea: {  	v16 =	vsub.s32 $0x5F3759DF, v29  }
0xeb: {  	v31 =	vmul.f32 v16, v15;
	v17 =	vmul.f32 v14, v30;
	_ =	sdelay $0x1  }
0xec: {  	v18 =	vmul.f32 v16, v31;
	v17 =	vsub.f32 $1.500000000e+00, v17;
	_ =	sdelay $0x1  }
0xed: {  	v18 =	vsub.f32 $1.500000000e+00, v18;
	v14 =	vmul.f32 v14, v17;
	_ =	sdelay $0x1  }
0xee: {  	v16 =	vmul.f32 v16, v18;
	v17 =	vmul.f32 v14, v12;
	_ =	sdelay $0x1  }
0xef: {  	v18 =	vmul.f32 v16, v15;
	v17 =	vmul.f32 v17, v14;
	_ =	sdelay $0x1  }
0xf0: {  	v18 =	vmul.f32 v18, v16;
	v17 =	vsub.f32 $1.500000000e+00, v17;
	_ =	sdelay $0x1  }
0xf1: {  	v18 =	vsub.f32 $1.500000000e+00, v18;
	v14 =	vmul.f32 v17, v14;
	_ =	sdelay $0x1  }
0xf2: {  	v16 =	vmul.f32 v18, v16;
	v17 =	vmul.f32 v14, v12;
	_ =	sdelay $0x1  }
0xf3: {  	v18 =	vmul.f32 v16, v15;
	v17 =	vmul.f32 v17, v14;
	_ =	sdelay $0x1  }
0xf4: {  	v18 =	vmul.f32 v18, v16;
	v17 =	vsub.f32 $1.500000000e+00, v17;
	_ =	sdelay $0x1  }
0xf5: {  	v32 =	vld [tilespmem:$0x80];
	v18 =	vsub.f32 $1.500000000e+00, v18;
	v14 =	vmul.f32 v17, v14  }
0xf6: {  	v33 =	vld [tilespmem:$0x100]  }
0xf7: {  	v34 =	vld [tilespmem:$0xC0];
	v16 =	vmul.f32 v18, v16;
	v12 =	vmul.f32 v14, v12;
	_ =	sdelay $0x1  }
0xf8: {  	v35 =	vld [tilespmem:$0x140];
	v15 =	vmul.f32 v16, v15;
	v12 =	vmul.f32 v12, v14  }
0xf9: {  	v17 =	vmul.f32 v32, v5  }
0xfa: {  	v18 =	vmul.f32 v33, v6;
	v15 =	vmul.f32 v15, v16;
	v12 =	vsub.f32 $1.500000000e+00, v12  }
0xfb: {  	v38 =	vmul.f32 v34, v5;
	v39 =	vmov s15  }
0xfc: {  	v37 =	vadd.f32 v18, v17;
	v36 =	vsub.f32 $1.500000000e+00, v15;
	v12 =	vmul.f32 v12, v14  }
0xfd: {  	v41 =	vld [tilespmem:$0x180];
	v20 =	vmul.f32 v35, v6;
	v40 =	vmov s17;
	v42 =	vsub.f32 v42, v39  }
0xfe: {  	v43 =	vsub.f32 v45, v40;
	v14 =	vmul.f32 v36, v16;
	v15 =	vmul.f32 v12, v37;
	_ =	sdelay $0x1  }
0xff: {  	v16 =	vadd.f32 v20, v38;
	v44 =	vmul.f32 v14, v43;
	v15 =	vmul.f32 v15, v42  }
0x100: {  	v45 =	vld [tilespmem:$0x1C0]  }
0x101: {  	v46 =	vmul.f32 v44, v41;
	v15 =	vadd.f32 v15, v16;
	_ =	sdelay $0x1  }
0x102: {  	v15 =	vadd.f32 v46, v15;
	_ =	sdelay $0x1  }
0x103: {  	v15 =	vadd.f32 v15, v45;
	_ =	sdelay $0x1  }
0x104: {  	[tilespmem:s14+$0x0] =	vst v15  }
0x105: {  	v15 =	vld [tilespmem:$0x90]  }
0x106: {  	v47 =	vld [tilespmem:$0x110];
	_ =	sdelay $0x2  }
0x107: {  	v48 =	vld [tilespmem:$0xD0]  }
0x108: {  	v49 =	vld [tilespmem:$0x150]  }
0x109: {  	v15 =	vmul.f32 v15, v5;
	v16 =	vmul.f32 v47, v6;
	_ =	sdelay $0x1  }
0x10a: {  	v15 =	vadd.f32 v16, v15  }
0x10b: {  	v11 =	vsub.f32 v11, v39;
	v51 =	vld [tilespmem:$0x190];
	v50 =	vmul.f32 v48, v5  }
0x10c: {  	v13 =	vsub.f32 v13, v40;
	v20 =	vmul.f32 v49, v6;
	v15 =	vmul.f32 v12, v15;
	_ =	sdelay $0x1  }
0x10d: {  	v13 =	vmul.f32 v14, v13;
	v16 =	vadd.f32 v20, v50;
	v11 =	vmul.f32 v15, v11  }
0x10e: {  	v52 =	vld [tilespmem:$0x1D0]  }
0x10f: {  	v13 =	vmul.f32 v13, v51;
	v11 =	vadd.f32 v11, v16;
	_ =	sdelay $0x1  }
0x110: {  	v11 =	vadd.f32 v13, v11;
	_ =	sdelay $0x1  }
0x111: {  	v11 =	vadd.f32 v11, v52;
	_ =	sdelay $0x1  }
0x112: {  	[tilespmem:s14+$0x10] =	vst v11  }
0x113: {  	v11 =	vld [tilespmem:$0xA0]  }
0x114: {  	v53 =	vld [tilespmem:$0x120];
	_ =	sdelay $0x2  }
0x115: {  	v54 =	vld [tilespmem:$0xE0]  }
0x116: {  	v55 =	vld [tilespmem:$0x160]  }
0x117: {  	v11 =	vmul.f32 v11, v5;
	v13 =	vmul.f32 v53, v6;
	_ =	sdelay $0x1  }
0x118: {  	v11 =	vadd.f32 v13, v11  }
0x119: {  	v9 =	vsub.f32 v9, v39;
	v57 =	vld [tilespmem:$0x1A0];
	v56 =	vmul.f32 v54, v5  }
0x11a: {  	v10 =	vsub.f32 v10, v40;
	v16 =	vmul.f32 v55, v6;
	v11 =	vmul.f32 v12, v11;
	_ =	sdelay $0x1  }
0x11b: {  	v10 =	vmul.f32 v14, v10;
	v13 =	vadd.f32 v16, v56;
	v9 =	vmul.f32 v11, v9  }
0x11c: {  	v58 =	vld [tilespmem:$0x1E0]  }
0x11d: {  	v10 =	vmul.f32 v10, v57;
	v9 =	vadd.f32 v9, v13;
	_ =	sdelay $0x1  }
0x11e: {  	v9 =	vadd.f32 v10, v9;
	_ =	sdelay $0x1  }
0x11f: {  	v9 =	vadd.f32 v9, v58;
	_ =	sdelay $0x1  }
0x120: {  	[tilespmem:s14+$0x20] =	vst v9  }
0x121: {  	v9 =	vld [tilespmem:$0xB0]  }
0x122: {  	v59 =	vld [tilespmem:$0x130];
	_ =	sdelay $0x2  }
0x123: {  	v60 =	vld [tilespmem:$0xF0]  }
0x124: {  	v61 =	vld [tilespmem:$0x170]  }
0x125: {  	v9 =	vmul.f32 v9, v5;
	v10 =	vmul.f32 v59, v6;
	_ =	sdelay $0x1  }
0x126: {  	v9 =	vadd.f32 v10, v9  }
0x127: {  	v7 =	vsub.f32 v7, v39;
	v62 =	vld [tilespmem:$0x1B0];
	v5 =	vmul.f32 v60, v5  }
0x128: {  	v8 =	vsub.f32 v8, v40;
	v6 =	vmul.f32 v61, v6;
	v9 =	vmul.f32 v12, v9;
	_ =	sdelay $0x1  }
0x129: {  	v5 =	vadd.f32 v6, v5;
	v6 =	vmul.f32 v9, v7;
	v7 =	vmul.f32 v14, v8  }
0x12a: {  	v63 =	vld [tilespmem:$0x1F0]  }
0x12b: {  	v5 =	vadd.f32 v6, v5;
	v6 =	vmul.f32 v7, v62  }
0x12c: {  	p0 =	sne.s32 s31, $0x31  }
.Ltmp0:
0x12d: {  	v5 =	vadd.f32 v6, v5;
	(pc) =	sbr.rel @p0 .LBB2_2-.Ltmp0, $4  }
0x12e: {  	_ = 	snop  }
0x12f: {  	v5 =	vadd.f32 v5, v63  }
0x130: {  	s31 =	sadd.s32 $0x2, s31;
	s1 =	sadd.s32 $0x80, s1  }
0x131: {  	s0 =	sadd.s32 $0x80, s0;
	s13 =	sadd.s32 $0x80, s13;
	[tilespmem:s14+$0x30] =	vst v5;
	s14 =	sadd.s32 $0x80, s14  }
0x132: {  	s0 =	simm.s32 $0x2F40  }
0x133: {  	[hbm4b:s9+s2] =	stream.linear.scatter [tilespmem:s0], [sflag:$0x7], $0xC80, $0x38;
	[tilespmem:$0x4240] =	vst v63  }
0x134: {  	_ =	swait.ge [sflag:s28], $0xC80  }
0x135: {  	[sflag:s28] =	ssyncset.done $0x0  }
0x136: {  	[sflag:s28] =	ssyncadd.s32 $0xFFFFF380  }
0x137: {  	s30 =	sadd.s32 $0x1, s30;
	_ =	swait.ge [sflag:s29], $0x640  }
0x138: {  	p0 =	sne.s32 s30, s11;
	[sflag:s29] =	ssyncset.done $0x0  }
.Ltmp1:
0x139: {  	[sflag:s29] =	ssyncadd.s32 $0xFFFFF9C0;
	(pc) =	sbr.rel @p0 .LBB2_1-.Ltmp1, $4  }
0x13a: {  	[hbm4b:s10+s2] =	stream.linear.scatter [tilespmem:s16], [sflag:$0x7], $0x640, $0x38;
	[tilespmem:$0x4240] =	vst v63  }
0x13b: {  	_ =	swait.ge [sflag:s28], $0x640  }
0x13c: {  	[sflag:s28] =	ssyncset.done $0x0  }
0x13d: {  	[sflag:s28] =	ssyncadd.s32 $0xFFFFF9C0  }
0x13e: {  	_ =	sfence.sel $0x180000  }
0x13f: {  	[bflag:$0x0] =	sbarrier.arrive $0xFFFF  }
0x140: {  	_ =	strace $0x90000047  }
0x141: {  	s0 =	stileid.u32;
	[bflag:$0x2] =	sbarrier.arrive $0xFFFF  }
0x142: {  	p0 =	sne.s32 s0, $0x0;
	s0 =	rddreg [dreg:$0x3]  }
0x143: {  	s0 =	sadd.s32 @!p0 $0x100000, s0  }
0x144: {  	[sflag:s0] =	ssyncadd.tile.s32 @!p0 $0x1;
	_ =	shalt  }
.Lfunc_end2:
_tile_overlayer_lowered:
.L_overlay_start_2:
0x145: {  	(tag) =	ssettag $0x2  }
0x146: {  	s0 =	rddreg [dreg:$0x0];
	s2 =	stileid.u32  }
0x147: {  	s1 =	rddreg [dreg:$0x1];
	p0 =	sne.s32 s2, $0x0  }
0x148: {  	s3 =	rddreg [dreg:$0x2];
	[bflag:$0x3] =	sbarrier.arrive $0xFFFF;
	s2 =	simm.s32 @!p0 $0x1C07  }
0x149: {  	[timem:s3], [sflag:s2] =	dma.local @!p0 [hbm:s0], s1  }
0x14a: {  	s0 =	simm.s32 @!p0 $0x7  }
0x14b: {  	_ =	swait.ge @!p0 [sflag:s0], s1  }
0x14c: {  	s1 =	ssub.s32 @!p0 $0x0, s1;
	[sflag:s0] =	ssyncset.done @!p0 $0x0  }
0x14d: {  	[sflag:s0] =	ssyncadd.s32 @!p0 s1  }
0x14e: {  	[bflag:$0x3] =	sbarrier.arrive $0xFFFF  }
0x14f: {  	_ =	shalt  }

</sc_bundles>
